<compile_context>
chip_gen: v7x
topology: tpu7x:2x2x1
jax: 0.10.2.dev20260603
libtpu: 0.0.44.dev20260713+nightly
codegen_flags: <defaults>
</compile_context>

<pallas_src>
import functools

import jax
import jax.numpy as jnp
from jax import lax
from jax.experimental import pallas as pl
from jax.experimental.pallas import tpu as pltpu
from jax.experimental.pallas import tpu_sc as plsc

NC = 2
NS = 16
NW = NC * NS
IPG = 128


@functools.lru_cache(maxsize=None)
def _make_gather(BATCH, SEQ, V, D, CR, NBUF):
    rows_per_w = BATCH // NW
    n_chunks = rows_per_w // CR
    n_g = n_chunks // NBUF
    assert BATCH % NW == 0 and rows_per_w % CR == 0 and n_chunks % NBUF == 0
    splits = []
    s = 0
    while s < SEQ:
        w = min(IPG, SEQ - s)
        splits.append((s, w))
        s += w
    mesh = plsc.VectorSubcoreMesh(core_axis_name="c", subcore_axis_name="s")

    @functools.partial(
        pl.kernel,
        out_type=jax.ShapeDtypeStruct((BATCH, SEQ, 2 * D), jnp.float32),
        mesh=mesh,
        compiler_params=pltpu.CompilerParams(use_tc_tiling_on_sc=False),
        scratch_types=[
            pltpu.VMEM((NBUF, CR, SEQ), jnp.int32),
            pltpu.VMEM((NBUF, CR, SEQ, D), jnp.float32),
            pltpu.SemaphoreType.DMA((NBUF,)),
            pltpu.SemaphoreType.DMA((NBUF,)),
            pltpu.SemaphoreType.DMA,
        ],
    )
    def grab(idx_hbm, table_hbm, out_hbm, idx_v, rows_v, sem_i, sem_o, sem_g):
        wid = lax.axis_index("s") * NC + lax.axis_index("c")
        base = wid * rows_per_w

        def chunk_row(i):
            return pl.multiple_of(base + i * CR, CR)

        for b in range(NBUF):
            pltpu.async_copy(
                idx_hbm.at[pl.ds(chunk_row(b), CR)], idx_v.at[b], sem_i.at[b])

        def body(g, carry):
            for b in range(NBUF):
                i = g * NBUF + b

                @pl.when(g > 0)
                def _():
                    pltpu.make_async_copy(
                        rows_v.at[b],
                        out_hbm.at[pl.ds(chunk_row(i - NBUF), CR), :, pl.ds(0, D)],
                        sem_o.at[b],
                    ).wait()

                pltpu.make_async_copy(
                    idx_hbm.at[pl.ds(chunk_row(i), CR)], idx_v.at[b],
                    sem_i.at[b],
                ).wait()

                copies = [
                    pltpu.async_copy(
                        table_hbm.at[idx_v.at[b, r, pl.ds(s, w)]],
                        rows_v.at[b, r, pl.ds(s, w)],
                        sem_g,
                    )
                    for r in range(CR)
                    for (s, w) in splits
                ]
                for c in copies:
                    c.wait()

                @pl.when(g < n_g - 1)
                def _():
                    pltpu.async_copy(
                        idx_hbm.at[pl.ds(chunk_row(i + NBUF), CR)],
                        idx_v.at[b],
                        sem_i.at[b],
                    )

                pltpu.async_copy(
                    rows_v.at[b],
                    out_hbm.at[pl.ds(chunk_row(i), CR), :, pl.ds(0, D)],
                    sem_o.at[b])
            return carry

        lax.fori_loop(0, n_g, body, 0)

        for b in range(NBUF):
            i = n_chunks - NBUF + b
            pltpu.make_async_copy(
                rows_v.at[b],
                out_hbm.at[pl.ds(chunk_row(i), CR), :, pl.ds(0, D)],
                sem_o.at[b],
            ).wait()

    return grab


def kernel(input, table):
    BATCH, SEQ = input.shape
    V, D = table.shape
    out = _make_gather(BATCH, SEQ, V, D, 4, 2)(input, table)
    return out[:, :, :D]

# --- scband reference (transcript-rebuilt; emitter-appended) ---
"""Pipeline reference for scband-embedding-lockup-5806795784872 (READ-ONLY COPY).

The authoritative reference and input builder live on the scoring server;
editing this copy changes nothing except your own understanding.
"""

import jax, jax.numpy as jnp
import numpy as np

VOCAB = 1000000
EMBED = 64
BATCH = 16384
SEQ = 200

def setup_inputs(seed: int = 0) -> dict:
    key = jax.random.key(seed)
    k_idx, k_tab = jax.random.split(key)
    input = jax.random.randint(k_idx, (BATCH, SEQ), 0, VOCAB, dtype=jnp.int64 if jax.config.jax_enable_x64 else jnp.int32)
    table = jax.random.normal(k_tab, (VOCAB, EMBED), dtype=jnp.float32)
    return {"input": input, "table": table}

def reference(input, table):
    # EmbeddingLockup.forward: nn.Embedding lookup
    # [batch_size, seq_len] -> [batch_size, seq_len, word_embed_size]
    return jnp.take(table, input, axis=0)

if __name__ == "__main__":
    import jax
    _d = setup_inputs()
    print(jax.jit(kernel)(*tuple(_d.values())))

</pallas_src>

<mosaic_0001>
#map = affine_map<(d0, d1) -> (0, 0)>
#map1 = affine_map<(d0, d1) -> (0, 0, 0)>
module attributes {stable_mosaic.version = 14 : i64} {
  func.func @grab(%arg0: i32, %arg1: i32, %arg2: memref<16384x200xi32, #tpu.memory_space<hbm>>, %arg3: memref<1000000x64xf32, #tpu.memory_space<hbm>>, %arg4: memref<16384x200x128xf32, #tpu.memory_space<hbm>>, %arg5: memref<2x4x200xi32, #tpu.memory_space<vmem>>, %arg6: memref<2x4x200x64xf32, #tpu.memory_space<vmem>>, %arg7: memref<2x!tpu.dma_semaphore, #tpu.memory_space<semaphore_mem>>, %arg8: memref<2x!tpu.dma_semaphore, #tpu.memory_space<semaphore_mem>>, %arg9: memref<!tpu.dma_semaphore, #tpu.memory_space<semaphore_mem>>) attributes {dimension_semantics = [#tpu.dimension_semantics<core_parallel>, #tpu.dimension_semantics<subcore_parallel>], iteration_bounds = array<i64: 2, 16>, scalar_prefetch = 0 : i64, scratch_operands = 5 : i64, tpu.core_type = #tpu.core_type<sc_vector_subcore>, window_params = [{transform_indices = #map}, {transform_indices = #map}, {transform_indices = #map1}]} {
    %mul3A = arith.constant 2 : i32
    %mul3A_0 = arith.muli %arg1, %mul3A : i32
    %add3A = arith.addi %mul3A_0, %arg0 : i32
    %mul3A_1 = arith.constant 512 : i32
    %mul3A_2 = arith.muli %add3A, %mul3A_1 : i32
    %add3A_3 = arith.constant 0 : i32
    %add3A_4 = arith.addi %mul3A_2, %add3A_3 : i32
    %multiple_of3A = tpu.assume_multiple %add3A_4, 4 : i32
    %dma_start3A = arith.constant 0 : i32
    %dma_start3A_5 = arith.constant 0 : i32
    %dma_start3A_6 = arith.constant 0 : i32
    %dma_start3A_7 = arith.constant 0 : i32
    %dma_start3A_8 = tpu.memref_slice %arg5[%dma_start3A, %dma_start3A_6, %dma_start3A_7] : memref<2x4x200xi32, #tpu.memory_space<vmem>> -> memref<1x4x200xi32, #tpu.memory_space<vmem>>
    %dma_start3A_9 = tpu.memref_squeeze %dma_start3A_8 : memref<1x4x200xi32, #tpu.memory_space<vmem>> -> memref<4x200xi32, #tpu.memory_space<vmem>>
    %dma_start3A_10 = arith.constant 0 : i32
    %dma_start3A_11 = tpu.memref_slice %arg2[%multiple_of3A, %dma_start3A_10] : memref<16384x200xi32, #tpu.memory_space<hbm>> -> memref<4x200xi32, #tpu.memory_space<hbm>>
    %dma_start3A_12 = tpu.memref_slice %arg7[%dma_start3A_5] : memref<2x!tpu.dma_semaphore, #tpu.memory_space<semaphore_mem>> -> memref<1x!tpu.dma_semaphore, #tpu.memory_space<semaphore_mem>>
    %dma_start3A_13 = tpu.memref_squeeze %dma_start3A_12 : memref<1x!tpu.dma_semaphore, #tpu.memory_space<semaphore_mem>> -> memref<!tpu.dma_semaphore, #tpu.memory_space<semaphore_mem>>
    %dma_start3A_14 = arith.constant 0 : i32
    %dma_start3A_15 = arith.constant 0 : i32
    %dma_start3A_16 = tpu.memref_slice %arg5[%dma_start3A, %dma_start3A_14, %dma_start3A_15] : memref<2x4x200xi32, #tpu.memory_space<vmem>> -> memref<1x4x200xi32, #tpu.memory_space<vmem>>
    %dma_start3A_17 = tpu.memref_squeeze %dma_start3A_16 : memref<1x4x200xi32, #tpu.memory_space<vmem>> -> memref<4x200xi32, #tpu.memory_space<vmem>>
    %dma_start3A_18 = arith.constant 0 : i32
    %dma_start3A_19 = tpu.memref_slice %arg2[%multiple_of3A, %dma_start3A_18] : memref<16384x200xi32, #tpu.memory_space<hbm>> -> memref<4x200xi32, #tpu.memory_space<hbm>>
    tpu.enqueue_dma source(%dma_start3A_19 : memref<4x200xi32, #tpu.memory_space<hbm>>) target(%dma_start3A_17 : memref<4x200xi32, #tpu.memory_space<vmem>>) target_semaphore(%dma_start3A_13 : memref<!tpu.dma_semaphore, #tpu.memory_space<semaphore_mem>>)
    %add3A_20 = arith.constant 4 : i32
    %add3A_21 = arith.addi %mul3A_2, %add3A_20 : i32
    %multiple_of3A_22 = tpu.assume_multiple %add3A_21, 4 : i32
    %dma_start3A_23 = arith.constant 1 : i32
    %dma_start3A_24 = arith.constant 1 : i32
    %dma_start3A_25 = arith.constant 0 : i32
    %dma_start3A_26 = arith.constant 0 : i32
    %dma_start3A_27 = tpu.memref_slice %arg5[%dma_start3A_23, %dma_start3A_25, %dma_start3A_26] : memref<2x4x200xi32, #tpu.memory_space<vmem>> -> memref<1x4x200xi32, #tpu.memory_space<vmem>>
    %dma_start3A_28 = tpu.memref_squeeze %dma_start3A_27 : memref<1x4x200xi32, #tpu.memory_space<vmem>> -> memref<4x200xi32, #tpu.memory_space<vmem>>
    %dma_start3A_29 = arith.constant 0 : i32
    %dma_start3A_30 = tpu.memref_slice %arg2[%multiple_of3A_22, %dma_start3A_29] : memref<16384x200xi32, #tpu.memory_space<hbm>> -> memref<4x200xi32, #tpu.memory_space<hbm>>
    %dma_start3A_31 = tpu.memref_slice %arg7[%dma_start3A_24] : memref<2x!tpu.dma_semaphore, #tpu.memory_space<semaphore_mem>> -> memref<1x!tpu.dma_semaphore, #tpu.memory_space<semaphore_mem>>
    %dma_start3A_32 = tpu.memref_squeeze %dma_start3A_31 : memref<1x!tpu.dma_semaphore, #tpu.memory_space<semaphore_mem>> -> memref<!tpu.dma_semaphore, #tpu.memory_space<semaphore_mem>>
    %dma_start3A_33 = arith.constant 0 : i32
    %dma_start3A_34 = arith.constant 0 : i32
    %dma_start3A_35 = tpu.memref_slice %arg5[%dma_start3A_23, %dma_start3A_33, %dma_start3A_34] : memref<2x4x200xi32, #tpu.memory_space<vmem>> -> memref<1x4x200xi32, #tpu.memory_space<vmem>>
    %dma_start3A_36 = tpu.memref_squeeze %dma_start3A_35 : memref<1x4x200xi32, #tpu.memory_space<vmem>> -> memref<4x200xi32, #tpu.memory_space<vmem>>
    %dma_start3A_37 = arith.constant 0 : i32
    %dma_start3A_38 = tpu.memref_slice %arg2[%multiple_of3A_22, %dma_start3A_37] : memref<16384x200xi32, #tpu.memory_space<hbm>> -> memref<4x200xi32, #tpu.memory_space<hbm>>
    tpu.enqueue_dma source(%dma_start3A_38 : memref<4x200xi32, #tpu.memory_space<hbm>>) target(%dma_start3A_36 : memref<4x200xi32, #tpu.memory_space<vmem>>) target_semaphore(%dma_start3A_32 : memref<!tpu.dma_semaphore, #tpu.memory_space<semaphore_mem>>)
    %scan3A = arith.constant 0 : i32
    %scan3A_39 = arith.constant 0 : i32
    %scan3A_40 = arith.constant 64 : i32
    %scan3A_41 = arith.addi %scan3A_39, %scan3A_40 : i32
    %scan3A_42 = arith.constant 1 : i32
    scf.for %scan3A_89 = %scan3A_39 to %scan3A_41 step %scan3A_42  : i32 {
      %mul3A_90 = arith.constant 2 : i32
      %mul3A_91 = arith.muli %scan3A_89, %mul3A_90 : i32
      %add3A_92 = arith.constant 0 : i32
      %add3A_93 = arith.addi %mul3A_91, %add3A_92 : i32
      %gt3A = arith.constant 0 : i32
      %gt3A_94 = arith.cmpi sgt, %scan3A_89, %gt3A : i32
      %convert_element_type3A = arith.extui %gt3A_94 : i1 to i32
      %cond3A = arith.constant 0 : i32
      %cond3A_95 = arith.cmpi ne, %convert_element_type3A, %cond3A : i32
      scf.if %cond3A_95 {
        %sub3A = arith.constant 2 : i32
        %sub3A_650 = arith.subi %add3A_93, %sub3A : i32
        %mul3A_651 = arith.constant 4 : i32
        %mul3A_652 = arith.muli %sub3A_650, %mul3A_651 : i32
        %add3A_653 = arith.addi %mul3A_2, %mul3A_652 : i32
        %multiple_of3A_654 = tpu.assume_multiple %add3A_653, 4 : i32
        %dma_wait3A_655 = arith.constant 0 : i32
        %dma_wait3A_656 = arith.constant 0 : i32
        %dma_wait3A_657 = arith.constant 0 : i32
        %dma_wait3A_658 = arith.constant 0 : i32
        %dma_wait3A_659 = arith.constant 0 : i32
        %dma_wait3A_660 = tpu.memref_slice %arg6[%dma_wait3A_655, %dma_wait3A_657, %dma_wait3A_658, %dma_wait3A_659] : memref<2x4x200x64xf32, #tpu.memory_space<vmem>> -> memref<1x4x200x64xf32, #tpu.memory_space<vmem>>
        %dma_wait3A_661 = tpu.memref_squeeze %dma_wait3A_660 : memref<1x4x200x64xf32, #tpu.memory_space<vmem>> -> memref<4x200x64xf32, #tpu.memory_space<vmem>>
        %dma_wait3A_662 = arith.constant 0 : i32
        %dma_wait3A_663 = arith.constant 0 : i32
        %dma_wait3A_664 = tpu.memref_slice %arg4[%multiple_of3A_654, %dma_wait3A_662, %dma_wait3A_663] : memref<16384x200x128xf32, #tpu.memory_space<hbm>> -> memref<4x200x64xf32, #tpu.memory_space<hbm>>
        %dma_wait3A_665 = tpu.memref_slice %arg8[%dma_wait3A_656] : memref<2x!tpu.dma_semaphore, #tpu.memory_space<semaphore_mem>> -> memref<1x!tpu.dma_semaphore, #tpu.memory_space<semaphore_mem>>
        %dma_wait3A_666 = tpu.memref_squeeze %dma_wait3A_665 : memref<1x!tpu.dma_semaphore, #tpu.memory_space<semaphore_mem>> -> memref<!tpu.dma_semaphore, #tpu.memory_space<semaphore_mem>>
        %dma_wait3A_667 = arith.constant 0 : i32
        %dma_wait3A_668 = arith.constant 0 : i32
        %dma_wait3A_669 = tpu.memref_slice %arg4[%multiple_of3A_654, %dma_wait3A_667, %dma_wait3A_668] : memref<16384x200x128xf32, #tpu.memory_space<hbm>> -> memref<4x200x64xf32, #tpu.memory_space<hbm>>
        %dma_wait3A_670 = arith.constant 0 : i32
        %dma_wait3A_671 = arith.constant 0 : i32
        %dma_wait3A_672 = arith.constant 0 : i32
        %dma_wait3A_673 = tpu.memref_slice %arg6[%dma_wait3A_655, %dma_wait3A_670, %dma_wait3A_671, %dma_wait3A_672] : memref<2x4x200x64xf32, #tpu.memory_space<vmem>> -> memref<1x4x200x64xf32, #tpu.memory_space<vmem>>
        %dma_wait3A_674 = tpu.memref_squeeze %dma_wait3A_673 : memref<1x4x200x64xf32, #tpu.memory_space<vmem>> -> memref<4x200x64xf32, #tpu.memory_space<vmem>>
        tpu.wait_dma2 semaphore(%dma_wait3A_666 : memref<!tpu.dma_semaphore, #tpu.memory_space<semaphore_mem>>) src(%dma_wait3A_674 : memref<4x200x64xf32, #tpu.memory_space<vmem>>) dst(%dma_wait3A_669 : memref<4x200x64xf32, #tpu.memory_space<hbm>>)
      } else {
      }
      %mul3A_96 = arith.constant 4 : i32
      %mul3A_97 = arith.muli %add3A_93, %mul3A_96 : i32
      %add3A_98 = arith.addi %mul3A_2, %mul3A_97 : i32
      %multiple_of3A_99 = tpu.assume_multiple %add3A_98, 4 : i32
      %dma_wait3A_100 = arith.constant 0 : i32
      %dma_wait3A_101 = arith.constant 0 : i32
      %dma_wait3A_102 = arith.constant 0 : i32
      %dma_wait3A_103 = arith.constant 0 : i32
      %dma_wait3A_104 = tpu.memref_slice %arg5[%dma_wait3A_100, %dma_wait3A_102, %dma_wait3A_103] : memref<2x4x200xi32, #tpu.memory_space<vmem>> -> memref<1x4x200xi32, #tpu.memory_space<vmem>>
      %dma_wait3A_105 = tpu.memref_squeeze %dma_wait3A_104 : memref<1x4x200xi32, #tpu.memory_space<vmem>> -> memref<4x200xi32, #tpu.memory_space<vmem>>
      %dma_wait3A_106 = arith.constant 0 : i32
      %dma_wait3A_107 = tpu.memref_slice %arg2[%multiple_of3A_99, %dma_wait3A_106] : memref<16384x200xi32, #tpu.memory_space<hbm>> -> memref<4x200xi32, #tpu.memory_space<hbm>>
      %dma_wait3A_108 = tpu.memref_slice %arg7[%dma_wait3A_101] : memref<2x!tpu.dma_semaphore, #tpu.memory_space<semaphore_mem>> -> memref<1x!tpu.dma_semaphore, #tpu.memory_space<semaphore_mem>>
      %dma_wait3A_109 = tpu.memref_squeeze %dma_wait3A_108 : memref<1x!tpu.dma_semaphore, #tpu.memory_space<semaphore_mem>> -> memref<!tpu.dma_semaphore, #tpu.memory_space<semaphore_mem>>
      %dma_wait3A_110 = arith.constant 0 : i32
      %dma_wait3A_111 = arith.constant 0 : i32
      %dma_wait3A_112 = tpu.memref_slice %arg5[%dma_wait3A_100, %dma_wait3A_110, %dma_wait3A_111] : memref<2x4x200xi32, #tpu.memory_space<vmem>> -> memref<1x4x200xi32, #tpu.memory_space<vmem>>
      %dma_wait3A_113 = tpu.memref_squeeze %dma_wait3A_112 : memref<1x4x200xi32, #tpu.memory_space<vmem>> -> memref<4x200xi32, #tpu.memory_space<vmem>>
      %dma_wait3A_114 = arith.constant 0 : i32
      %dma_wait3A_115 = tpu.memref_slice %arg2[%multiple_of3A_99, %dma_wait3A_114] : memref<16384x200xi32, #tpu.memory_space<hbm>> -> memref<4x200xi32, #tpu.memory_space<hbm>>
      tpu.wait_dma2 semaphore(%dma_wait3A_109 : memref<!tpu.dma_semaphore, #tpu.memory_space<semaphore_mem>>) src(%dma_wait3A_115 : memref<4x200xi32, #tpu.memory_space<hbm>>) dst(%dma_wait3A_113 : memref<4x200xi32, #tpu.memory_space<vmem>>)
      %dma_start3A_116 = arith.constant 0 : i32
      %dma_start3A_117 = arith.constant 0 : i32
      %dma_start3A_118 = arith.constant 0 : i32
      %dma_start3A_119 = arith.constant 0 : i32
      %dma_start3A_120 = arith.constant 0 : i32
      %dma_start3A_121 = arith.constant 0 : i32
      %dma_start3A_122 = tpu.memref_slice %arg6[%dma_start3A_118, %dma_start3A_119, %dma_start3A_120, %dma_start3A_121] : memref<2x4x200x64xf32, #tpu.memory_space<vmem>> -> memref<1x1x128x64xf32, #tpu.memory_space<vmem>>
      %dma_start3A_123 = tpu.memref_squeeze %dma_start3A_122 : memref<1x1x128x64xf32, #tpu.memory_space<vmem>> -> memref<128x64xf32, #tpu.memory_space<vmem>>
      %dma_start3A_124 = arith.constant 0 : i32
      %dma_start3A_125 = tpu.memref_slice %arg5[%dma_start3A_116, %dma_start3A_117, %dma_start3A_124] : memref<2x4x200xi32, #tpu.memory_space<vmem>> -> memref<1x1x128xi32, #tpu.memory_space<vmem>>
      %dma_start3A_126 = tpu.memref_squeeze %dma_start3A_125 : memref<1x1x128xi32, #tpu.memory_space<vmem>> -> memref<128xi32, #tpu.memory_space<vmem>>
      %dma_start3A_127 = arith.constant 0 : i32
      %dma_start3A_128 = arith.constant 0 : i32
      %dma_start3A_129 = tpu.memref_slice %arg3[%dma_start3A_127, %dma_start3A_128] : memref<1000000x64xf32, #tpu.memory_space<hbm>> -> memref<1000000x64xf32, #tpu.memory_space<hbm>>
      tpu.enqueue_indirect_dma source(%dma_start3A_129 : memref<1000000x64xf32, #tpu.memory_space<hbm>>) target(%dma_start3A_123 : memref<128x64xf32, #tpu.memory_space<vmem>>) offsets(%dma_start3A_126 : memref<128xi32, #tpu.memory_space<vmem>>) semaphore(%arg9 : memref<!tpu.dma_semaphore, #tpu.memory_space<semaphore_mem>>)
      %dma_start3A_130 = arith.constant 0 : i32
      %dma_start3A_131 = arith.constant 0 : i32
      %dma_start3A_132 = arith.constant 0 : i32
      %dma_start3A_133 = arith.constant 0 : i32
      %dma_start3A_134 = arith.constant 128 : i32
      %dma_start3A_135 = arith.constant 0 : i32
      %dma_start3A_136 = tpu.memref_slice %arg6[%dma_start3A_132, %dma_start3A_133, %dma_start3A_134, %dma_start3A_135] : memref<2x4x200x64xf32, #tpu.memory_space<vmem>> -> memref<1x1x72x64xf32, #tpu.memory_space<vmem>>
      %dma_start3A_137 = tpu.memref_squeeze %dma_start3A_136 : memref<1x1x72x64xf32, #tpu.memory_space<vmem>> -> memref<72x64xf32, #tpu.memory_space<vmem>>
      %dma_start3A_138 = arith.constant 128 : i32
      %dma_start3A_139 = tpu.memref_slice %arg5[%dma_start3A_130, %dma_start3A_131, %dma_start3A_138] : memref<2x4x200xi32, #tpu.memory_space<vmem>> -> memref<1x1x72xi32, #tpu.memory_space<vmem>>
      %dma_start3A_140 = tpu.memref_squeeze %dma_start3A_139 : memref<1x1x72xi32, #tpu.memory_space<vmem>> -> memref<72xi32, #tpu.memory_space<vmem>>
      %dma_start3A_141 = arith.constant 0 : i32
      %dma_start3A_142 = arith.constant 0 : i32
      %dma_start3A_143 = tpu.memref_slice %arg3[%dma_start3A_141, %dma_start3A_142] : memref<1000000x64xf32, #tpu.memory_space<hbm>> -> memref<1000000x64xf32, #tpu.memory_space<hbm>>
      tpu.enqueue_indirect_dma source(%dma_start3A_143 : memref<1000000x64xf32, #tpu.memory_space<hbm>>) target(%dma_start3A_137 : memref<72x64xf32, #tpu.memory_space<vmem>>) offsets(%dma_start3A_140 : memref<72xi32, #tpu.memory_space<vmem>>) semaphore(%arg9 : memref<!tpu.dma_semaphore, #tpu.memory_space<semaphore_mem>>)
      %dma_start3A_144 = arith.constant 0 : i32
      %dma_start3A_145 = arith.constant 1 : i32
      %dma_start3A_146 = arith.constant 0 : i32
      %dma_start3A_147 = arith.constant 1 : i32
      %dma_start3A_148 = arith.constant 0 : i32
      %dma_start3A_149 = arith.constant 0 : i32
      %dma_start3A_150 = tpu.memref_slice %arg6[%dma_start3A_146, %dma_start3A_147, %dma_start3A_148, %dma_start3A_149] : memref<2x4x200x64xf32, #tpu.memory_space<vmem>> -> memref<1x1x128x64xf32, #tpu.memory_space<vmem>>
      %dma_start3A_151 = tpu.memref_squeeze %dma_start3A_150 : memref<1x1x128x64xf32, #tpu.memory_space<vmem>> -> memref<128x64xf32, #tpu.memory_space<vmem>>
      %dma_start3A_152 = arith.constant 0 : i32
      %dma_start3A_153 = tpu.memref_slice %arg5[%dma_start3A_144, %dma_start3A_145, %dma_start3A_152] : memref<2x4x200xi32, #tpu.memory_space<vmem>> -> memref<1x1x128xi32, #tpu.memory_space<vmem>>
      %dma_start3A_154 = tpu.memref_squeeze %dma_start3A_153 : memref<1x1x128xi32, #tpu.memory_space<vmem>> -> memref<128xi32, #tpu.memory_space<vmem>>
      %dma_start3A_155 = arith.constant 0 : i32
      %dma_start3A_156 = arith.constant 0 : i32
      %dma_start3A_157 = tpu.memref_slice %arg3[%dma_start3A_155, %dma_start3A_156] : memref<1000000x64xf32, #tpu.memory_space<hbm>> -> memref<1000000x64xf32, #tpu.memory_space<hbm>>
      tpu.enqueue_indirect_dma source(%dma_start3A_157 : memref<1000000x64xf32, #tpu.memory_space<hbm>>) target(%dma_start3A_151 : memref<128x64xf32, #tpu.memory_space<vmem>>) offsets(%dma_start3A_154 : memref<128xi32, #tpu.memory_space<vmem>>) semaphore(%arg9 : memref<!tpu.dma_semaphore, #tpu.memory_space<semaphore_mem>>)
      %dma_start3A_158 = arith.constant 0 : i32
      %dma_start3A_159 = arith.constant 1 : i32
      %dma_start3A_160 = arith.constant 0 : i32
      %dma_start3A_161 = arith.constant 1 : i32
      %dma_start3A_162 = arith.constant 128 : i32
      %dma_start3A_163 = arith.constant 0 : i32
      %dma_start3A_164 = tpu.memref_slice %arg6[%dma_start3A_160, %dma_start3A_161, %dma_start3A_162, %dma_start3A_163] : memref<2x4x200x64xf32, #tpu.memory_space<vmem>> -> memref<1x1x72x64xf32, #tpu.memory_space<vmem>>
      %dma_start3A_165 = tpu.memref_squeeze %dma_start3A_164 : memref<1x1x72x64xf32, #tpu.memory_space<vmem>> -> memref<72x64xf32, #tpu.memory_space<vmem>>
      %dma_start3A_166 = arith.constant 128 : i32
      %dma_start3A_167 = tpu.memref_slice %arg5[%dma_start3A_158, %dma_start3A_159, %dma_start3A_166] : memref<2x4x200xi32, #tpu.memory_space<vmem>> -> memref<1x1x72xi32, #tpu.memory_space<vmem>>
      %dma_start3A_168 = tpu.memref_squeeze %dma_start3A_167 : memref<1x1x72xi32, #tpu.memory_space<vmem>> -> memref<72xi32, #tpu.memory_space<vmem>>
      %dma_start3A_169 = arith.constant 0 : i32
      %dma_start3A_170 = arith.constant 0 : i32
      %dma_start3A_171 = tpu.memref_slice %arg3[%dma_start3A_169, %dma_start3A_170] : memref<1000000x64xf32, #tpu.memory_space<hbm>> -> memref<1000000x64xf32, #tpu.memory_space<hbm>>
      tpu.enqueue_indirect_dma source(%dma_start3A_171 : memref<1000000x64xf32, #tpu.memory_space<hbm>>) target(%dma_start3A_165 : memref<72x64xf32, #tpu.memory_space<vmem>>) offsets(%dma_start3A_168 : memref<72xi32, #tpu.memory_space<vmem>>) semaphore(%arg9 : memref<!tpu.dma_semaphore, #tpu.memory_space<semaphore_mem>>)
      %dma_start3A_172 = arith.constant 0 : i32
      %dma_start3A_173 = arith.constant 2 : i32
      %dma_start3A_174 = arith.constant 0 : i32
      %dma_start3A_175 = arith.constant 2 : i32
      %dma_start3A_176 = arith.constant 0 : i32
      %dma_start3A_177 = arith.constant 0 : i32
      %dma_start3A_178 = tpu.memref_slice %arg6[%dma_start3A_174, %dma_start3A_175, %dma_start3A_176, %dma_start3A_177] : memref<2x4x200x64xf32, #tpu.memory_space<vmem>> -> memref<1x1x128x64xf32, #tpu.memory_space<vmem>>
      %dma_start3A_179 = tpu.memref_squeeze %dma_start3A_178 : memref<1x1x128x64xf32, #tpu.memory_space<vmem>> -> memref<128x64xf32, #tpu.memory_space<vmem>>
      %dma_start3A_180 = arith.constant 0 : i32
      %dma_start3A_181 = tpu.memref_slice %arg5[%dma_start3A_172, %dma_start3A_173, %dma_start3A_180] : memref<2x4x200xi32, #tpu.memory_space<vmem>> -> memref<1x1x128xi32, #tpu.memory_space<vmem>>
      %dma_start3A_182 = tpu.memref_squeeze %dma_start3A_181 : memref<1x1x128xi32, #tpu.memory_space<vmem>> -> memref<128xi32, #tpu.memory_space<vmem>>
      %dma_start3A_183 = arith.constant 0 : i32
      %dma_start3A_184 = arith.constant 0 : i32
      %dma_start3A_185 = tpu.memref_slice %arg3[%dma_start3A_183, %dma_start3A_184] : memref<1000000x64xf32, #tpu.memory_space<hbm>> -> memref<1000000x64xf32, #tpu.memory_space<hbm>>
      tpu.enqueue_indirect_dma source(%dma_start3A_185 : memref<1000000x64xf32, #tpu.memory_space<hbm>>) target(%dma_start3A_179 : memref<128x64xf32, #tpu.memory_space<vmem>>) offsets(%dma_start3A_182 : memref<128xi32, #tpu.memory_space<vmem>>) semaphore(%arg9 : memref<!tpu.dma_semaphore, #tpu.memory_space<semaphore_mem>>)
      %dma_start3A_186 = arith.constant 0 : i32
      %dma_start3A_187 = arith.constant 2 : i32
      %dma_start3A_188 = arith.constant 0 : i32
      %dma_start3A_189 = arith.constant 2 : i32
      %dma_start3A_190 = arith.constant 128 : i32
      %dma_start3A_191 = arith.constant 0 : i32
      %dma_start3A_192 = tpu.memref_slice %arg6[%dma_start3A_188, %dma_start3A_189, %dma_start3A_190, %dma_start3A_191] : memref<2x4x200x64xf32, #tpu.memory_space<vmem>> -> memref<1x1x72x64xf32, #tpu.memory_space<vmem>>
      %dma_start3A_193 = tpu.memref_squeeze %dma_start3A_192 : memref<1x1x72x64xf32, #tpu.memory_space<vmem>> -> memref<72x64xf32, #tpu.memory_space<vmem>>
      %dma_start3A_194 = arith.constant 128 : i32
      %dma_start3A_195 = tpu.memref_slice %arg5[%dma_start3A_186, %dma_start3A_187, %dma_start3A_194] : memref<2x4x200xi32, #tpu.memory_space<vmem>> -> memref<1x1x72xi32, #tpu.memory_space<vmem>>
      %dma_start3A_196 = tpu.memref_squeeze %dma_start3A_195 : memref<1x1x72xi32, #tpu.memory_space<vmem>> -> memref<72xi32, #tpu.memory_space<vmem>>
      %dma_start3A_197 = arith.constant 0 : i32
      %dma_start3A_198 = arith.constant 0 : i32
      %dma_start3A_199 = tpu.memref_slice %arg3[%dma_start3A_197, %dma_start3A_198] : memref<1000000x64xf32, #tpu.memory_space<hbm>> -> memref<1000000x64xf32, #tpu.memory_space<hbm>>
      tpu.enqueue_indirect_dma source(%dma_start3A_199 : memref<1000000x64xf32, #tpu.memory_space<hbm>>) target(%dma_start3A_193 : memref<72x64xf32, #tpu.memory_space<vmem>>) offsets(%dma_start3A_196 : memref<72xi32, #tpu.memory_space<vmem>>) semaphore(%arg9 : memref<!tpu.dma_semaphore, #tpu.memory_space<semaphore_mem>>)
      %dma_start3A_200 = arith.constant 0 : i32
      %dma_start3A_201 = arith.constant 3 : i32
      %dma_start3A_202 = arith.constant 0 : i32
      %dma_start3A_203 = arith.constant 3 : i32
      %dma_start3A_204 = arith.constant 0 : i32
      %dma_start3A_205 = arith.constant 0 : i32
      %dma_start3A_206 = tpu.memref_slice %arg6[%dma_start3A_202, %dma_start3A_203, %dma_start3A_204, %dma_start3A_205] : memref<2x4x200x64xf32, #tpu.memory_space<vmem>> -> memref<1x1x128x64xf32, #tpu.memory_space<vmem>>
      %dma_start3A_207 = tpu.memref_squeeze %dma_start3A_206 : memref<1x1x128x64xf32, #tpu.memory_space<vmem>> -> memref<128x64xf32, #tpu.memory_space<vmem>>
      %dma_start3A_208 = arith.constant 0 : i32
      %dma_start3A_209 = tpu.memref_slice %arg5[%dma_start3A_200, %dma_start3A_201, %dma_start3A_208] : memref<2x4x200xi32, #tpu.memory_space<vmem>> -> memref<1x1x128xi32, #tpu.memory_space<vmem>>
      %dma_start3A_210 = tpu.memref_squeeze %dma_start3A_209 : memref<1x1x128xi32, #tpu.memory_space<vmem>> -> memref<128xi32, #tpu.memory_space<vmem>>
      %dma_start3A_211 = arith.constant 0 : i32
      %dma_start3A_212 = arith.constant 0 : i32
      %dma_start3A_213 = tpu.memref_slice %arg3[%dma_start3A_211, %dma_start3A_212] : memref<1000000x64xf32, #tpu.memory_space<hbm>> -> memref<1000000x64xf32, #tpu.memory_space<hbm>>
      tpu.enqueue_indirect_dma source(%dma_start3A_213 : memref<1000000x64xf32, #tpu.memory_space<hbm>>) target(%dma_start3A_207 : memref<128x64xf32, #tpu.memory_space<vmem>>) offsets(%dma_start3A_210 : memref<128xi32, #tpu.memory_space<vmem>>) semaphore(%arg9 : memref<!tpu.dma_semaphore, #tpu.memory_space<semaphore_mem>>)
      %dma_start3A_214 = arith.constant 0 : i32
      %dma_start3A_215 = arith.constant 3 : i32
      %dma_start3A_216 = arith.constant 0 : i32
      %dma_start3A_217 = arith.constant 3 : i32
      %dma_start3A_218 = arith.constant 128 : i32
      %dma_start3A_219 = arith.constant 0 : i32
      %dma_start3A_220 = tpu.memref_slice %arg6[%dma_start3A_216, %dma_start3A_217, %dma_start3A_218, %dma_start3A_219] : memref<2x4x200x64xf32, #tpu.memory_space<vmem>> -> memref<1x1x72x64xf32, #tpu.memory_space<vmem>>
      %dma_start3A_221 = tpu.memref_squeeze %dma_start3A_220 : memref<1x1x72x64xf32, #tpu.memory_space<vmem>> -> memref<72x64xf32, #tpu.memory_space<vmem>>
      %dma_start3A_222 = arith.constant 128 : i32
      %dma_start3A_223 = tpu.memref_slice %arg5[%dma_start3A_214, %dma_start3A_215, %dma_start3A_222] : memref<2x4x200xi32, #tpu.memory_space<vmem>> -> memref<1x1x72xi32, #tpu.memory_space<vmem>>
      %dma_start3A_224 = tpu.memref_squeeze %dma_start3A_223 : memref<1x1x72xi32, #tpu.memory_space<vmem>> -> memref<72xi32, #tpu.memory_space<vmem>>
      %dma_start3A_225 = arith.constant 0 : i32
      %dma_start3A_226 = arith.constant 0 : i32
      %dma_start3A_227 = tpu.memref_slice %arg3[%dma_start3A_225, %dma_start3A_226] : memref<1000000x64xf32, #tpu.memory_space<hbm>> -> memref<1000000x64xf32, #tpu.memory_space<hbm>>
      tpu.enqueue_indirect_dma source(%dma_start3A_227 : memref<1000000x64xf32, #tpu.memory_space<hbm>>) target(%dma_start3A_221 : memref<72x64xf32, #tpu.memory_space<vmem>>) offsets(%dma_start3A_224 : memref<72xi32, #tpu.memory_space<vmem>>) semaphore(%arg9 : memref<!tpu.dma_semaphore, #tpu.memory_space<semaphore_mem>>)
      %dma_wait3A_228 = arith.constant 0 : i32
      %dma_wait3A_229 = arith.constant 0 : i32
      %dma_wait3A_230 = arith.constant 0 : i32
      %dma_wait3A_231 = arith.constant 0 : i32
      %dma_wait3A_232 = arith.constant 0 : i32
      %dma_wait3A_233 = arith.constant 0 : i32
      %dma_wait3A_234 = tpu.memref_slice %arg6[%dma_wait3A_230, %dma_wait3A_231, %dma_wait3A_232, %dma_wait3A_233] : memref<2x4x200x64xf32, #tpu.memory_space<vmem>> -> memref<1x1x128x64xf32, #tpu.memory_space<vmem>>
      %dma_wait3A_235 = tpu.memref_squeeze %dma_wait3A_234 : memref<1x1x128x64xf32, #tpu.memory_space<vmem>> -> memref<128x64xf32, #tpu.memory_space<vmem>>
      %dma_wait3A_236 = arith.constant 0 : i32
      %dma_wait3A_237 = tpu.memref_slice %arg5[%dma_wait3A_228, %dma_wait3A_229, %dma_wait3A_236] : memref<2x4x200xi32, #tpu.memory_space<vmem>> -> memref<1x1x128xi32, #tpu.memory_space<vmem>>
      %dma_wait3A_238 = tpu.memref_squeeze %dma_wait3A_237 : memref<1x1x128xi32, #tpu.memory_space<vmem>> -> memref<128xi32, #tpu.memory_space<vmem>>
      %dma_wait3A_239 = arith.constant 0 : i32
      %dma_wait3A_240 = arith.constant 0 : i32
      %dma_wait3A_241 = tpu.memref_slice %arg3[%dma_wait3A_239, %dma_wait3A_240] : memref<1000000x64xf32, #tpu.memory_space<hbm>> -> memref<1000000x64xf32, #tpu.memory_space<hbm>>
      tpu.wait_indirect_dma semaphore(%arg9 : memref<!tpu.dma_semaphore, #tpu.memory_space<semaphore_mem>>) src(%dma_wait3A_241 : memref<1000000x64xf32, #tpu.memory_space<hbm>>) dst(%dma_wait3A_235 : memref<128x64xf32, #tpu.memory_space<vmem>>)
      %dma_wait3A_242 = arith.constant 0 : i32
      %dma_wait3A_243 = arith.constant 0 : i32
      %dma_wait3A_244 = arith.constant 0 : i32
      %dma_wait3A_245 = arith.constant 0 : i32
      %dma_wait3A_246 = arith.constant 128 : i32
      %dma_wait3A_247 = arith.constant 0 : i32
      %dma_wait3A_248 = tpu.memref_slice %arg6[%dma_wait3A_244, %dma_wait3A_245, %dma_wait3A_246, %dma_wait3A_247] : memref<2x4x200x64xf32, #tpu.memory_space<vmem>> -> memref<1x1x72x64xf32, #tpu.memory_space<vmem>>
      %dma_wait3A_249 = tpu.memref_squeeze %dma_wait3A_248 : memref<1x1x72x64xf32, #tpu.memory_space<vmem>> -> memref<72x64xf32, #tpu.memory_space<vmem>>
      %dma_wait3A_250 = arith.constant 128 : i32
      %dma_wait3A_251 = tpu.memref_slice %arg5[%dma_wait3A_242, %dma_wait3A_243, %dma_wait3A_250] : memref<2x4x200xi32, #tpu.memory_space<vmem>> -> memref<1x1x72xi32, #tpu.memory_space<vmem>>
      %dma_wait3A_252 = tpu.memref_squeeze %dma_wait3A_251 : memref<1x1x72xi32, #tpu.memory_space<vmem>> -> memref<72xi32, #tpu.memory_space<vmem>>
      %dma_wait3A_253 = arith.constant 0 : i32
      %dma_wait3A_254 = arith.constant 0 : i32
      %dma_wait3A_255 = tpu.memref_slice %arg3[%dma_wait3A_253, %dma_wait3A_254] : memref<1000000x64xf32, #tpu.memory_space<hbm>> -> memref<1000000x64xf32, #tpu.memory_space<hbm>>
      tpu.wait_indirect_dma semaphore(%arg9 : memref<!tpu.dma_semaphore, #tpu.memory_space<semaphore_mem>>) src(%dma_wait3A_255 : memref<1000000x64xf32, #tpu.memory_space<hbm>>) dst(%dma_wait3A_249 : memref<72x64xf32, #tpu.memory_space<vmem>>)
      %dma_wait3A_256 = arith.constant 0 : i32
      %dma_wait3A_257 = arith.constant 1 : i32
      %dma_wait3A_258 = arith.constant 0 : i32
      %dma_wait3A_259 = arith.constant 1 : i32
      %dma_wait3A_260 = arith.constant 0 : i32
      %dma_wait3A_261 = arith.constant 0 : i32
      %dma_wait3A_262 = tpu.memref_slice %arg6[%dma_wait3A_258, %dma_wait3A_259, %dma_wait3A_260, %dma_wait3A_261] : memref<2x4x200x64xf32, #tpu.memory_space<vmem>> -> memref<1x1x128x64xf32, #tpu.memory_space<vmem>>
      %dma_wait3A_263 = tpu.memref_squeeze %dma_wait3A_262 : memref<1x1x128x64xf32, #tpu.memory_space<vmem>> -> memref<128x64xf32, #tpu.memory_space<vmem>>
      %dma_wait3A_264 = arith.constant 0 : i32
      %dma_wait3A_265 = tpu.memref_slice %arg5[%dma_wait3A_256, %dma_wait3A_257, %dma_wait3A_264] : memref<2x4x200xi32, #tpu.memory_space<vmem>> -> memref<1x1x128xi32, #tpu.memory_space<vmem>>
      %dma_wait3A_266 = tpu.memref_squeeze %dma_wait3A_265 : memref<1x1x128xi32, #tpu.memory_space<vmem>> -> memref<128xi32, #tpu.memory_space<vmem>>
      %dma_wait3A_267 = arith.constant 0 : i32
      %dma_wait3A_268 = arith.constant 0 : i32
      %dma_wait3A_269 = tpu.memref_slice %arg3[%dma_wait3A_267, %dma_wait3A_268] : memref<1000000x64xf32, #tpu.memory_space<hbm>> -> memref<1000000x64xf32, #tpu.memory_space<hbm>>
      tpu.wait_indirect_dma semaphore(%arg9 : memref<!tpu.dma_semaphore, #tpu.memory_space<semaphore_mem>>) src(%dma_wait3A_269 : memref<1000000x64xf32, #tpu.memory_space<hbm>>) dst(%dma_wait3A_263 : memref<128x64xf32, #tpu.memory_space<vmem>>)
      %dma_wait3A_270 = arith.constant 0 : i32
      %dma_wait3A_271 = arith.constant 1 : i32
      %dma_wait3A_272 = arith.constant 0 : i32
      %dma_wait3A_273 = arith.constant 1 : i32
      %dma_wait3A_274 = arith.constant 128 : i32
      %dma_wait3A_275 = arith.constant 0 : i32
      %dma_wait3A_276 = tpu.memref_slice %arg6[%dma_wait3A_272, %dma_wait3A_273, %dma_wait3A_274, %dma_wait3A_275] : memref<2x4x200x64xf32, #tpu.memory_space<vmem>> -> memref<1x1x72x64xf32, #tpu.memory_space<vmem>>
      %dma_wait3A_277 = tpu.memref_squeeze %dma_wait3A_276 : memref<1x1x72x64xf32, #tpu.memory_space<vmem>> -> memref<72x64xf32, #tpu.memory_space<vmem>>
      %dma_wait3A_278 = arith.constant 128 : i32
      %dma_wait3A_279 = tpu.memref_slice %arg5[%dma_wait3A_270, %dma_wait3A_271, %dma_wait3A_278] : memref<2x4x200xi32, #tpu.memory_space<vmem>> -> memref<1x1x72xi32, #tpu.memory_space<vmem>>
      %dma_wait3A_280 = tpu.memref_squeeze %dma_wait3A_279 : memref<1x1x72xi32, #tpu.memory_space<vmem>> -> memref<72xi32, #tpu.memory_space<vmem>>
      %dma_wait3A_281 = arith.constant 0 : i32
      %dma_wait3A_282 = arith.constant 0 : i32
      %dma_wait3A_283 = tpu.memref_slice %arg3[%dma_wait3A_281, %dma_wait3A_282] : memref<1000000x64xf32, #tpu.memory_space<hbm>> -> memref<1000000x64xf32, #tpu.memory_space<hbm>>
      tpu.wait_indirect_dma semaphore(%arg9 : memref<!tpu.dma_semaphore, #tpu.memory_space<semaphore_mem>>) src(%dma_wait3A_283 : memref<1000000x64xf32, #tpu.memory_space<hbm>>) dst(%dma_wait3A_277 : memref<72x64xf32, #tpu.memory_space<vmem>>)
      %dma_wait3A_284 = arith.constant 0 : i32
      %dma_wait3A_285 = arith.constant 2 : i32
      %dma_wait3A_286 = arith.constant 0 : i32
      %dma_wait3A_287 = arith.constant 2 : i32
      %dma_wait3A_288 = arith.constant 0 : i32
      %dma_wait3A_289 = arith.constant 0 : i32
      %dma_wait3A_290 = tpu.memref_slice %arg6[%dma_wait3A_286, %dma_wait3A_287, %dma_wait3A_288, %dma_wait3A_289] : memref<2x4x200x64xf32, #tpu.memory_space<vmem>> -> memref<1x1x128x64xf32, #tpu.memory_space<vmem>>
      %dma_wait3A_291 = tpu.memref_squeeze %dma_wait3A_290 : memref<1x1x128x64xf32, #tpu.memory_space<vmem>> -> memref<128x64xf32, #tpu.memory_space<vmem>>
      %dma_wait3A_292 = arith.constant 0 : i32
      %dma_wait3A_293 = tpu.memref_slice %arg5[%dma_wait3A_284, %dma_wait3A_285, %dma_wait3A_292] : memref<2x4x200xi32, #tpu.memory_space<vmem>> -> memref<1x1x128xi32, #tpu.memory_space<vmem>>
      %dma_wait3A_294 = tpu.memref_squeeze %dma_wait3A_293 : memref<1x1x128xi32, #tpu.memory_space<vmem>> -> memref<128xi32, #tpu.memory_space<vmem>>
      %dma_wait3A_295 = arith.constant 0 : i32
      %dma_wait3A_296 = arith.constant 0 : i32
      %dma_wait3A_297 = tpu.memref_slice %arg3[%dma_wait3A_295, %dma_wait3A_296] : memref<1000000x64xf32, #tpu.memory_space<hbm>> -> memref<1000000x64xf32, #tpu.memory_space<hbm>>
      tpu.wait_indirect_dma semaphore(%arg9 : memref<!tpu.dma_semaphore, #tpu.memory_space<semaphore_mem>>) src(%dma_wait3A_297 : memref<1000000x64xf32, #tpu.memory_space<hbm>>) dst(%dma_wait3A_291 : memref<128x64xf32, #tpu.memory_space<vmem>>)
      %dma_wait3A_298 = arith.constant 0 : i32
      %dma_wait3A_299 = arith.constant 2 : i32
      %dma_wait3A_300 = arith.constant 0 : i32
      %dma_wait3A_301 = arith.constant 2 : i32
      %dma_wait3A_302 = arith.constant 128 : i32
      %dma_wait3A_303 = arith.constant 0 : i32
      %dma_wait3A_304 = tpu.memref_slice %arg6[%dma_wait3A_300, %dma_wait3A_301, %dma_wait3A_302, %dma_wait3A_303] : memref<2x4x200x64xf32, #tpu.memory_space<vmem>> -> memref<1x1x72x64xf32, #tpu.memory_space<vmem>>
      %dma_wait3A_305 = tpu.memref_squeeze %dma_wait3A_304 : memref<1x1x72x64xf32, #tpu.memory_space<vmem>> -> memref<72x64xf32, #tpu.memory_space<vmem>>
      %dma_wait3A_306 = arith.constant 128 : i32
      %dma_wait3A_307 = tpu.memref_slice %arg5[%dma_wait3A_298, %dma_wait3A_299, %dma_wait3A_306] : memref<2x4x200xi32, #tpu.memory_space<vmem>> -> memref<1x1x72xi32, #tpu.memory_space<vmem>>
      %dma_wait3A_308 = tpu.memref_squeeze %dma_wait3A_307 : memref<1x1x72xi32, #tpu.memory_space<vmem>> -> memref<72xi32, #tpu.memory_space<vmem>>
      %dma_wait3A_309 = arith.constant 0 : i32
      %dma_wait3A_310 = arith.constant 0 : i32
      %dma_wait3A_311 = tpu.memref_slice %arg3[%dma_wait3A_309, %dma_wait3A_310] : memref<1000000x64xf32, #tpu.memory_space<hbm>> -> memref<1000000x64xf32, #tpu.memory_space<hbm>>
      tpu.wait_indirect_dma semaphore(%arg9 : memref<!tpu.dma_semaphore, #tpu.memory_space<semaphore_mem>>) src(%dma_wait3A_311 : memref<1000000x64xf32, #tpu.memory_space<hbm>>) dst(%dma_wait3A_305 : memref<72x64xf32, #tpu.memory_space<vmem>>)
      %dma_wait3A_312 = arith.constant 0 : i32
      %dma_wait3A_313 = arith.constant 3 : i32
      %dma_wait3A_314 = arith.constant 0 : i32
      %dma_wait3A_315 = arith.constant 3 : i32
      %dma_wait3A_316 = arith.constant 0 : i32
      %dma_wait3A_317 = arith.constant 0 : i32
      %dma_wait3A_318 = tpu.memref_slice %arg6[%dma_wait3A_314, %dma_wait3A_315, %dma_wait3A_316, %dma_wait3A_317] : memref<2x4x200x64xf32, #tpu.memory_space<vmem>> -> memref<1x1x128x64xf32, #tpu.memory_space<vmem>>
      %dma_wait3A_319 = tpu.memref_squeeze %dma_wait3A_318 : memref<1x1x128x64xf32, #tpu.memory_space<vmem>> -> memref<128x64xf32, #tpu.memory_space<vmem>>
      %dma_wait3A_320 = arith.constant 0 : i32
      %dma_wait3A_321 = tpu.memref_slice %arg5[%dma_wait3A_312, %dma_wait3A_313, %dma_wait3A_320] : memref<2x4x200xi32, #tpu.memory_space<vmem>> -> memref<1x1x128xi32, #tpu.memory_space<vmem>>
      %dma_wait3A_322 = tpu.memref_squeeze %dma_wait3A_321 : memref<1x1x128xi32, #tpu.memory_space<vmem>> -> memref<128xi32, #tpu.memory_space<vmem>>
      %dma_wait3A_323 = arith.constant 0 : i32
      %dma_wait3A_324 = arith.constant 0 : i32
      %dma_wait3A_325 = tpu.memref_slice %arg3[%dma_wait3A_323, %dma_wait3A_324] : memref<1000000x64xf32, #tpu.memory_space<hbm>> -> memref<1000000x64xf32, #tpu.memory_space<hbm>>
      tpu.wait_indirect_dma semaphore(%arg9 : memref<!tpu.dma_semaphore, #tpu.memory_space<semaphore_mem>>) src(%dma_wait3A_325 : memref<1000000x64xf32, #tpu.memory_space<hbm>>) dst(%dma_wait3A_319 : memref<128x64xf32, #tpu.memory_space<vmem>>)
      %dma_wait3A_326 = arith.constant 0 : i32
      %dma_wait3A_327 = arith.constant 3 : i32
      %dma_wait3A_328 = arith.constant 0 : i32
      %dma_wait3A_329 = arith.constant 3 : i32
      %dma_wait3A_330 = arith.constant 128 : i32
      %dma_wait3A_331 = arith.constant 0 : i32
      %dma_wait3A_332 = tpu.memref_slice %arg6[%dma_wait3A_328, %dma_wait3A_329, %dma_wait3A_330, %dma_wait3A_331] : memref<2x4x200x64xf32, #tpu.memory_space<vmem>> -> memref<1x1x72x64xf32, #tpu.memory_space<vmem>>
      %dma_wait3A_333 = tpu.memref_squeeze %dma_wait3A_332 : memref<1x1x72x64xf32, #tpu.memory_space<vmem>> -> memref<72x64xf32, #tpu.memory_space<vmem>>
      %dma_wait3A_334 = arith.constant 128 : i32
      %dma_wait3A_335 = tpu.memref_slice %arg5[%dma_wait3A_326, %dma_wait3A_327, %dma_wait3A_334] : memref<2x4x200xi32, #tpu.memory_space<vmem>> -> memref<1x1x72xi32, #tpu.memory_space<vmem>>
      %dma_wait3A_336 = tpu.memref_squeeze %dma_wait3A_335 : memref<1x1x72xi32, #tpu.memory_space<vmem>> -> memref<72xi32, #tpu.memory_space<vmem>>
      %dma_wait3A_337 = arith.constant 0 : i32
      %dma_wait3A_338 = arith.constant 0 : i32
      %dma_wait3A_339 = tpu.memref_slice %arg3[%dma_wait3A_337, %dma_wait3A_338] : memref<1000000x64xf32, #tpu.memory_space<hbm>> -> memref<1000000x64xf32, #tpu.memory_space<hbm>>
      tpu.wait_indirect_dma semaphore(%arg9 : memref<!tpu.dma_semaphore, #tpu.memory_space<semaphore_mem>>) src(%dma_wait3A_339 : memref<1000000x64xf32, #tpu.memory_space<hbm>>) dst(%dma_wait3A_333 : memref<72x64xf32, #tpu.memory_space<vmem>>)
      %lt3A = arith.constant 63 : i32
      %lt3A_340 = arith.cmpi slt, %scan3A_89, %lt3A : i32
      %convert_element_type3A_341 = arith.extui %lt3A_340 : i1 to i32
      %cond3A_342 = arith.constant 0 : i32
      %cond3A_343 = arith.cmpi ne, %convert_element_type3A_341, %cond3A_342 : i32
      scf.if %cond3A_343 {
        %add3A_650 = arith.constant 2 : i32
        %add3A_651 = arith.addi %add3A_93, %add3A_650 : i32
        %mul3A_652 = arith.constant 4 : i32
        %mul3A_653 = arith.muli %add3A_651, %mul3A_652 : i32
        %add3A_654 = arith.addi %mul3A_2, %mul3A_653 : i32
        %multiple_of3A_655 = tpu.assume_multiple %add3A_654, 4 : i32
        %dma_start3A_656 = arith.constant 0 : i32
        %dma_start3A_657 = arith.constant 0 : i32
        %dma_start3A_658 = arith.constant 0 : i32
        %dma_start3A_659 = arith.constant 0 : i32
        %dma_start3A_660 = tpu.memref_slice %arg5[%dma_start3A_656, %dma_start3A_658, %dma_start3A_659] : memref<2x4x200xi32, #tpu.memory_space<vmem>> -> memref<1x4x200xi32, #tpu.memory_space<vmem>>
        %dma_start3A_661 = tpu.memref_squeeze %dma_start3A_660 : memref<1x4x200xi32, #tpu.memory_space<vmem>> -> memref<4x200xi32, #tpu.memory_space<vmem>>
        %dma_start3A_662 = arith.constant 0 : i32
        %dma_start3A_663 = tpu.memref_slice %arg2[%multiple_of3A_655, %dma_start3A_662] : memref<16384x200xi32, #tpu.memory_space<hbm>> -> memref<4x200xi32, #tpu.memory_space<hbm>>
        %dma_start3A_664 = tpu.memref_slice %arg7[%dma_start3A_657] : memref<2x!tpu.dma_semaphore, #tpu.memory_space<semaphore_mem>> -> memref<1x!tpu.dma_semaphore, #tpu.memory_space<semaphore_mem>>
        %dma_start3A_665 = tpu.memref_squeeze %dma_start3A_664 : memref<1x!tpu.dma_semaphore, #tpu.memory_space<semaphore_mem>> -> memref<!tpu.dma_semaphore, #tpu.memory_space<semaphore_mem>>
        %dma_start3A_666 = arith.constant 0 : i32
        %dma_start3A_667 = arith.constant 0 : i32
        %dma_start3A_668 = tpu.memref_slice %arg5[%dma_start3A_656, %dma_start3A_666, %dma_start3A_667] : memref<2x4x200xi32, #tpu.memory_space<vmem>> -> memref<1x4x200xi32, #tpu.memory_space<vmem>>
        %dma_start3A_669 = tpu.memref_squeeze %dma_start3A_668 : memref<1x4x200xi32, #tpu.memory_space<vmem>> -> memref<4x200xi32, #tpu.memory_space<vmem>>
        %dma_start3A_670 = arith.constant 0 : i32
        %dma_start3A_671 = tpu.memref_slice %arg2[%multiple_of3A_655, %dma_start3A_670] : memref<16384x200xi32, #tpu.memory_space<hbm>> -> memref<4x200xi32, #tpu.memory_space<hbm>>
        tpu.enqueue_dma source(%dma_start3A_671 : memref<4x200xi32, #tpu.memory_space<hbm>>) target(%dma_start3A_669 : memref<4x200xi32, #tpu.memory_space<vmem>>) target_semaphore(%dma_start3A_665 : memref<!tpu.dma_semaphore, #tpu.memory_space<semaphore_mem>>)
      } else {
      }
      %mul3A_344 = arith.constant 4 : i32
      %mul3A_345 = arith.muli %add3A_93, %mul3A_344 : i32
      %add3A_346 = arith.addi %mul3A_2, %mul3A_345 : i32
      %multiple_of3A_347 = tpu.assume_multiple %add3A_346, 4 : i32
      %dma_start3A_348 = arith.constant 0 : i32
      %dma_start3A_349 = arith.constant 0 : i32
      %dma_start3A_350 = arith.constant 0 : i32
      %dma_start3A_351 = arith.constant 0 : i32
      %dma_start3A_352 = arith.constant 0 : i32
      %dma_start3A_353 = tpu.memref_slice %arg6[%dma_start3A_348, %dma_start3A_350, %dma_start3A_351, %dma_start3A_352] : memref<2x4x200x64xf32, #tpu.memory_space<vmem>> -> memref<1x4x200x64xf32, #tpu.memory_space<vmem>>
      %dma_start3A_354 = tpu.memref_squeeze %dma_start3A_353 : memref<1x4x200x64xf32, #tpu.memory_space<vmem>> -> memref<4x200x64xf32, #tpu.memory_space<vmem>>
      %dma_start3A_355 = arith.constant 0 : i32
      %dma_start3A_356 = arith.constant 0 : i32
      %dma_start3A_357 = tpu.memref_slice %arg4[%multiple_of3A_347, %dma_start3A_355, %dma_start3A_356] : memref<16384x200x128xf32, #tpu.memory_space<hbm>> -> memref<4x200x64xf32, #tpu.memory_space<hbm>>
      %dma_start3A_358 = tpu.memref_slice %arg8[%dma_start3A_349] : memref<2x!tpu.dma_semaphore, #tpu.memory_space<semaphore_mem>> -> memref<1x!tpu.dma_semaphore, #tpu.memory_space<semaphore_mem>>
      %dma_start3A_359 = tpu.memref_squeeze %dma_start3A_358 : memref<1x!tpu.dma_semaphore, #tpu.memory_space<semaphore_mem>> -> memref<!tpu.dma_semaphore, #tpu.memory_space<semaphore_mem>>
      %dma_start3A_360 = arith.constant 0 : i32
      %dma_start3A_361 = arith.constant 0 : i32
      %dma_start3A_362 = tpu.memref_slice %arg4[%multiple_of3A_347, %dma_start3A_360, %dma_start3A_361] : memref<16384x200x128xf32, #tpu.memory_space<hbm>> -> memref<4x200x64xf32, #tpu.memory_space<hbm>>
      %dma_start3A_363 = arith.constant 0 : i32
      %dma_start3A_364 = arith.constant 0 : i32
      %dma_start3A_365 = arith.constant 0 : i32
      %dma_start3A_366 = tpu.memref_slice %arg6[%dma_start3A_348, %dma_start3A_363, %dma_start3A_364, %dma_start3A_365] : memref<2x4x200x64xf32, #tpu.memory_space<vmem>> -> memref<1x4x200x64xf32, #tpu.memory_space<vmem>>
      %dma_start3A_367 = tpu.memref_squeeze %dma_start3A_366 : memref<1x4x200x64xf32, #tpu.memory_space<vmem>> -> memref<4x200x64xf32, #tpu.memory_space<vmem>>
      tpu.enqueue_dma source(%dma_start3A_367 : memref<4x200x64xf32, #tpu.memory_space<vmem>>) target(%dma_start3A_362 : memref<4x200x64xf32, #tpu.memory_space<hbm>>) target_semaphore(%dma_start3A_359 : memref<!tpu.dma_semaphore, #tpu.memory_space<semaphore_mem>>)
      %mul3A_368 = arith.constant 2 : i32
      %mul3A_369 = arith.muli %scan3A_89, %mul3A_368 : i32
      %add3A_370 = arith.constant 1 : i32
      %add3A_371 = arith.addi %mul3A_369, %add3A_370 : i32
      %gt3A_372 = arith.constant 0 : i32
      %gt3A_373 = arith.cmpi sgt, %scan3A_89, %gt3A_372 : i32
      %convert_element_type3A_374 = arith.extui %gt3A_373 : i1 to i32
      %cond3A_375 = arith.constant 0 : i32
      %cond3A_376 = arith.cmpi ne, %convert_element_type3A_374, %cond3A_375 : i32
      scf.if %cond3A_376 {
        %sub3A = arith.constant 2 : i32
        %sub3A_650 = arith.subi %add3A_371, %sub3A : i32
        %mul3A_651 = arith.constant 4 : i32
        %mul3A_652 = arith.muli %sub3A_650, %mul3A_651 : i32
        %add3A_653 = arith.addi %mul3A_2, %mul3A_652 : i32
        %multiple_of3A_654 = tpu.assume_multiple %add3A_653, 4 : i32
        %dma_wait3A_655 = arith.constant 1 : i32
        %dma_wait3A_656 = arith.constant 1 : i32
        %dma_wait3A_657 = arith.constant 0 : i32
        %dma_wait3A_658 = arith.constant 0 : i32
        %dma_wait3A_659 = arith.constant 0 : i32
        %dma_wait3A_660 = tpu.memref_slice %arg6[%dma_wait3A_655, %dma_wait3A_657, %dma_wait3A_658, %dma_wait3A_659] : memref<2x4x200x64xf32, #tpu.memory_space<vmem>> -> memref<1x4x200x64xf32, #tpu.memory_space<vmem>>
        %dma_wait3A_661 = tpu.memref_squeeze %dma_wait3A_660 : memref<1x4x200x64xf32, #tpu.memory_space<vmem>> -> memref<4x200x64xf32, #tpu.memory_space<vmem>>
        %dma_wait3A_662 = arith.constant 0 : i32
        %dma_wait3A_663 = arith.constant 0 : i32
        %dma_wait3A_664 = tpu.memref_slice %arg4[%multiple_of3A_654, %dma_wait3A_662, %dma_wait3A_663] : memref<16384x200x128xf32, #tpu.memory_space<hbm>> -> memref<4x200x64xf32, #tpu.memory_space<hbm>>
        %dma_wait3A_665 = tpu.memref_slice %arg8[%dma_wait3A_656] : memref<2x!tpu.dma_semaphore, #tpu.memory_space<semaphore_mem>> -> memref<1x!tpu.dma_semaphore, #tpu.memory_space<semaphore_mem>>
        %dma_wait3A_666 = tpu.memref_squeeze %dma_wait3A_665 : memref<1x!tpu.dma_semaphore, #tpu.memory_space<semaphore_mem>> -> memref<!tpu.dma_semaphore, #tpu.memory_space<semaphore_mem>>
        %dma_wait3A_667 = arith.constant 0 : i32
        %dma_wait3A_668 = arith.constant 0 : i32
        %dma_wait3A_669 = tpu.memref_slice %arg4[%multiple_of3A_654, %dma_wait3A_667, %dma_wait3A_668] : memref<16384x200x128xf32, #tpu.memory_space<hbm>> -> memref<4x200x64xf32, #tpu.memory_space<hbm>>
        %dma_wait3A_670 = arith.constant 0 : i32
        %dma_wait3A_671 = arith.constant 0 : i32
        %dma_wait3A_672 = arith.constant 0 : i32
        %dma_wait3A_673 = tpu.memref_slice %arg6[%dma_wait3A_655, %dma_wait3A_670, %dma_wait3A_671, %dma_wait3A_672] : memref<2x4x200x64xf32, #tpu.memory_space<vmem>> -> memref<1x4x200x64xf32, #tpu.memory_space<vmem>>
        %dma_wait3A_674 = tpu.memref_squeeze %dma_wait3A_673 : memref<1x4x200x64xf32, #tpu.memory_space<vmem>> -> memref<4x200x64xf32, #tpu.memory_space<vmem>>
        tpu.wait_dma2 semaphore(%dma_wait3A_666 : memref<!tpu.dma_semaphore, #tpu.memory_space<semaphore_mem>>) src(%dma_wait3A_674 : memref<4x200x64xf32, #tpu.memory_space<vmem>>) dst(%dma_wait3A_669 : memref<4x200x64xf32, #tpu.memory_space<hbm>>)
      } else {
      }
      %mul3A_377 = arith.constant 4 : i32
      %mul3A_378 = arith.muli %add3A_371, %mul3A_377 : i32
      %add3A_379 = arith.addi %mul3A_2, %mul3A_378 : i32
      %multiple_of3A_380 = tpu.assume_multiple %add3A_379, 4 : i32
      %dma_wait3A_381 = arith.constant 1 : i32
      %dma_wait3A_382 = arith.constant 1 : i32
      %dma_wait3A_383 = arith.constant 0 : i32
      %dma_wait3A_384 = arith.constant 0 : i32
      %dma_wait3A_385 = tpu.memref_slice %arg5[%dma_wait3A_381, %dma_wait3A_383, %dma_wait3A_384] : memref<2x4x200xi32, #tpu.memory_space<vmem>> -> memref<1x4x200xi32, #tpu.memory_space<vmem>>
      %dma_wait3A_386 = tpu.memref_squeeze %dma_wait3A_385 : memref<1x4x200xi32, #tpu.memory_space<vmem>> -> memref<4x200xi32, #tpu.memory_space<vmem>>
      %dma_wait3A_387 = arith.constant 0 : i32
      %dma_wait3A_388 = tpu.memref_slice %arg2[%multiple_of3A_380, %dma_wait3A_387] : memref<16384x200xi32, #tpu.memory_space<hbm>> -> memref<4x200xi32, #tpu.memory_space<hbm>>
      %dma_wait3A_389 = tpu.memref_slice %arg7[%dma_wait3A_382] : memref<2x!tpu.dma_semaphore, #tpu.memory_space<semaphore_mem>> -> memref<1x!tpu.dma_semaphore, #tpu.memory_space<semaphore_mem>>
      %dma_wait3A_390 = tpu.memref_squeeze %dma_wait3A_389 : memref<1x!tpu.dma_semaphore, #tpu.memory_space<semaphore_mem>> -> memref<!tpu.dma_semaphore, #tpu.memory_space<semaphore_mem>>
      %dma_wait3A_391 = arith.constant 0 : i32
      %dma_wait3A_392 = arith.constant 0 : i32
      %dma_wait3A_393 = tpu.memref_slice %arg5[%dma_wait3A_381, %dma_wait3A_391, %dma_wait3A_392] : memref<2x4x200xi32, #tpu.memory_space<vmem>> -> memref<1x4x200xi32, #tpu.memory_space<vmem>>
      %dma_wait3A_394 = tpu.memref_squeeze %dma_wait3A_393 : memref<1x4x200xi32, #tpu.memory_space<vmem>> -> memref<4x200xi32, #tpu.memory_space<vmem>>
      %dma_wait3A_395 = arith.constant 0 : i32
      %dma_wait3A_396 = tpu.memref_slice %arg2[%multiple_of3A_380, %dma_wait3A_395] : memref<16384x200xi32, #tpu.memory_space<hbm>> -> memref<4x200xi32, #tpu.memory_space<hbm>>
      tpu.wait_dma2 semaphore(%dma_wait3A_390 : memref<!tpu.dma_semaphore, #tpu.memory_space<semaphore_mem>>) src(%dma_wait3A_396 : memref<4x200xi32, #tpu.memory_space<hbm>>) dst(%dma_wait3A_394 : memref<4x200xi32, #tpu.memory_space<vmem>>)
      %dma_start3A_397 = arith.constant 1 : i32
      %dma_start3A_398 = arith.constant 0 : i32
      %dma_start3A_399 = arith.constant 1 : i32
      %dma_start3A_400 = arith.constant 0 : i32
      %dma_start3A_401 = arith.constant 0 : i32
      %dma_start3A_402 = arith.constant 0 : i32
      %dma_start3A_403 = tpu.memref_slice %arg6[%dma_start3A_399, %dma_start3A_400, %dma_start3A_401, %dma_start3A_402] : memref<2x4x200x64xf32, #tpu.memory_space<vmem>> -> memref<1x1x128x64xf32, #tpu.memory_space<vmem>>
      %dma_start3A_404 = tpu.memref_squeeze %dma_start3A_403 : memref<1x1x128x64xf32, #tpu.memory_space<vmem>> -> memref<128x64xf32, #tpu.memory_space<vmem>>
      %dma_start3A_405 = arith.constant 0 : i32
      %dma_start3A_406 = tpu.memref_slice %arg5[%dma_start3A_397, %dma_start3A_398, %dma_start3A_405] : memref<2x4x200xi32, #tpu.memory_space<vmem>> -> memref<1x1x128xi32, #tpu.memory_space<vmem>>
      %dma_start3A_407 = tpu.memref_squeeze %dma_start3A_406 : memref<1x1x128xi32, #tpu.memory_space<vmem>> -> memref<128xi32, #tpu.memory_space<vmem>>
      %dma_start3A_408 = arith.constant 0 : i32
      %dma_start3A_409 = arith.constant 0 : i32
      %dma_start3A_410 = tpu.memref_slice %arg3[%dma_start3A_408, %dma_start3A_409] : memref<1000000x64xf32, #tpu.memory_space<hbm>> -> memref<1000000x64xf32, #tpu.memory_space<hbm>>
      tpu.enqueue_indirect_dma source(%dma_start3A_410 : memref<1000000x64xf32, #tpu.memory_space<hbm>>) target(%dma_start3A_404 : memref<128x64xf32, #tpu.memory_space<vmem>>) offsets(%dma_start3A_407 : memref<128xi32, #tpu.memory_space<vmem>>) semaphore(%arg9 : memref<!tpu.dma_semaphore, #tpu.memory_space<semaphore_mem>>)
      %dma_start3A_411 = arith.constant 1 : i32
      %dma_start3A_412 = arith.constant 0 : i32
      %dma_start3A_413 = arith.constant 1 : i32
      %dma_start3A_414 = arith.constant 0 : i32
      %dma_start3A_415 = arith.constant 128 : i32
      %dma_start3A_416 = arith.constant 0 : i32
      %dma_start3A_417 = tpu.memref_slice %arg6[%dma_start3A_413, %dma_start3A_414, %dma_start3A_415, %dma_start3A_416] : memref<2x4x200x64xf32, #tpu.memory_space<vmem>> -> memref<1x1x72x64xf32, #tpu.memory_space<vmem>>
      %dma_start3A_418 = tpu.memref_squeeze %dma_start3A_417 : memref<1x1x72x64xf32, #tpu.memory_space<vmem>> -> memref<72x64xf32, #tpu.memory_space<vmem>>
      %dma_start3A_419 = arith.constant 128 : i32
      %dma_start3A_420 = tpu.memref_slice %arg5[%dma_start3A_411, %dma_start3A_412, %dma_start3A_419] : memref<2x4x200xi32, #tpu.memory_space<vmem>> -> memref<1x1x72xi32, #tpu.memory_space<vmem>>
      %dma_start3A_421 = tpu.memref_squeeze %dma_start3A_420 : memref<1x1x72xi32, #tpu.memory_space<vmem>> -> memref<72xi32, #tpu.memory_space<vmem>>
      %dma_start3A_422 = arith.constant 0 : i32
      %dma_start3A_423 = arith.constant 0 : i32
      %dma_start3A_424 = tpu.memref_slice %arg3[%dma_start3A_422, %dma_start3A_423] : memref<1000000x64xf32, #tpu.memory_space<hbm>> -> memref<1000000x64xf32, #tpu.memory_space<hbm>>
      tpu.enqueue_indirect_dma source(%dma_start3A_424 : memref<1000000x64xf32, #tpu.memory_space<hbm>>) target(%dma_start3A_418 : memref<72x64xf32, #tpu.memory_space<vmem>>) offsets(%dma_start3A_421 : memref<72xi32, #tpu.memory_space<vmem>>) semaphore(%arg9 : memref<!tpu.dma_semaphore, #tpu.memory_space<semaphore_mem>>)
      %dma_start3A_425 = arith.constant 1 : i32
      %dma_start3A_426 = arith.constant 1 : i32
      %dma_start3A_427 = arith.constant 1 : i32
      %dma_start3A_428 = arith.constant 1 : i32
      %dma_start3A_429 = arith.constant 0 : i32
      %dma_start3A_430 = arith.constant 0 : i32
      %dma_start3A_431 = tpu.memref_slice %arg6[%dma_start3A_427, %dma_start3A_428, %dma_start3A_429, %dma_start3A_430] : memref<2x4x200x64xf32, #tpu.memory_space<vmem>> -> memref<1x1x128x64xf32, #tpu.memory_space<vmem>>
      %dma_start3A_432 = tpu.memref_squeeze %dma_start3A_431 : memref<1x1x128x64xf32, #tpu.memory_space<vmem>> -> memref<128x64xf32, #tpu.memory_space<vmem>>
      %dma_start3A_433 = arith.constant 0 : i32
      %dma_start3A_434 = tpu.memref_slice %arg5[%dma_start3A_425, %dma_start3A_426, %dma_start3A_433] : memref<2x4x200xi32, #tpu.memory_space<vmem>> -> memref<1x1x128xi32, #tpu.memory_space<vmem>>
      %dma_start3A_435 = tpu.memref_squeeze %dma_start3A_434 : memref<1x1x128xi32, #tpu.memory_space<vmem>> -> memref<128xi32, #tpu.memory_space<vmem>>
      %dma_start3A_436 = arith.constant 0 : i32
      %dma_start3A_437 = arith.constant 0 : i32
      %dma_start3A_438 = tpu.memref_slice %arg3[%dma_start3A_436, %dma_start3A_437] : memref<1000000x64xf32, #tpu.memory_space<hbm>> -> memref<1000000x64xf32, #tpu.memory_space<hbm>>
      tpu.enqueue_indirect_dma source(%dma_start3A_438 : memref<1000000x64xf32, #tpu.memory_space<hbm>>) target(%dma_start3A_432 : memref<128x64xf32, #tpu.memory_space<vmem>>) offsets(%dma_start3A_435 : memref<128xi32, #tpu.memory_space<vmem>>) semaphore(%arg9 : memref<!tpu.dma_semaphore, #tpu.memory_space<semaphore_mem>>)
      %dma_start3A_439 = arith.constant 1 : i32
      %dma_start3A_440 = arith.constant 1 : i32
      %dma_start3A_441 = arith.constant 1 : i32
      %dma_start3A_442 = arith.constant 1 : i32
      %dma_start3A_443 = arith.constant 128 : i32
      %dma_start3A_444 = arith.constant 0 : i32
      %dma_start3A_445 = tpu.memref_slice %arg6[%dma_start3A_441, %dma_start3A_442, %dma_start3A_443, %dma_start3A_444] : memref<2x4x200x64xf32, #tpu.memory_space<vmem>> -> memref<1x1x72x64xf32, #tpu.memory_space<vmem>>
      %dma_start3A_446 = tpu.memref_squeeze %dma_start3A_445 : memref<1x1x72x64xf32, #tpu.memory_space<vmem>> -> memref<72x64xf32, #tpu.memory_space<vmem>>
      %dma_start3A_447 = arith.constant 128 : i32
      %dma_start3A_448 = tpu.memref_slice %arg5[%dma_start3A_439, %dma_start3A_440, %dma_start3A_447] : memref<2x4x200xi32, #tpu.memory_space<vmem>> -> memref<1x1x72xi32, #tpu.memory_space<vmem>>
      %dma_start3A_449 = tpu.memref_squeeze %dma_start3A_448 : memref<1x1x72xi32, #tpu.memory_space<vmem>> -> memref<72xi32, #tpu.memory_space<vmem>>
      %dma_start3A_450 = arith.constant 0 : i32
      %dma_start3A_451 = arith.constant 0 : i32
      %dma_start3A_452 = tpu.memref_slice %arg3[%dma_start3A_450, %dma_start3A_451] : memref<1000000x64xf32, #tpu.memory_space<hbm>> -> memref<1000000x64xf32, #tpu.memory_space<hbm>>
      tpu.enqueue_indirect_dma source(%dma_start3A_452 : memref<1000000x64xf32, #tpu.memory_space<hbm>>) target(%dma_start3A_446 : memref<72x64xf32, #tpu.memory_space<vmem>>) offsets(%dma_start3A_449 : memref<72xi32, #tpu.memory_space<vmem>>) semaphore(%arg9 : memref<!tpu.dma_semaphore, #tpu.memory_space<semaphore_mem>>)
      %dma_start3A_453 = arith.constant 1 : i32
      %dma_start3A_454 = arith.constant 2 : i32
      %dma_start3A_455 = arith.constant 1 : i32
      %dma_start3A_456 = arith.constant 2 : i32
      %dma_start3A_457 = arith.constant 0 : i32
      %dma_start3A_458 = arith.constant 0 : i32
      %dma_start3A_459 = tpu.memref_slice %arg6[%dma_start3A_455, %dma_start3A_456, %dma_start3A_457, %dma_start3A_458] : memref<2x4x200x64xf32, #tpu.memory_space<vmem>> -> memref<1x1x128x64xf32, #tpu.memory_space<vmem>>
      %dma_start3A_460 = tpu.memref_squeeze %dma_start3A_459 : memref<1x1x128x64xf32, #tpu.memory_space<vmem>> -> memref<128x64xf32, #tpu.memory_space<vmem>>
      %dma_start3A_461 = arith.constant 0 : i32
      %dma_start3A_462 = tpu.memref_slice %arg5[%dma_start3A_453, %dma_start3A_454, %dma_start3A_461] : memref<2x4x200xi32, #tpu.memory_space<vmem>> -> memref<1x1x128xi32, #tpu.memory_space<vmem>>
      %dma_start3A_463 = tpu.memref_squeeze %dma_start3A_462 : memref<1x1x128xi32, #tpu.memory_space<vmem>> -> memref<128xi32, #tpu.memory_space<vmem>>
      %dma_start3A_464 = arith.constant 0 : i32
      %dma_start3A_465 = arith.constant 0 : i32
      %dma_start3A_466 = tpu.memref_slice %arg3[%dma_start3A_464, %dma_start3A_465] : memref<1000000x64xf32, #tpu.memory_space<hbm>> -> memref<1000000x64xf32, #tpu.memory_space<hbm>>
      tpu.enqueue_indirect_dma source(%dma_start3A_466 : memref<1000000x64xf32, #tpu.memory_space<hbm>>) target(%dma_start3A_460 : memref<128x64xf32, #tpu.memory_space<vmem>>) offsets(%dma_start3A_463 : memref<128xi32, #tpu.memory_space<vmem>>) semaphore(%arg9 : memref<!tpu.dma_semaphore, #tpu.memory_space<semaphore_mem>>)
      %dma_start3A_467 = arith.constant 1 : i32
      %dma_start3A_468 = arith.constant 2 : i32
      %dma_start3A_469 = arith.constant 1 : i32
      %dma_start3A_470 = arith.constant 2 : i32
      %dma_start3A_471 = arith.constant 128 : i32
      %dma_start3A_472 = arith.constant 0 : i32
      %dma_start3A_473 = tpu.memref_slice %arg6[%dma_start3A_469, %dma_start3A_470, %dma_start3A_471, %dma_start3A_472] : memref<2x4x200x64xf32, #tpu.memory_space<vmem>> -> memref<1x1x72x64xf32, #tpu.memory_space<vmem>>
      %dma_start3A_474 = tpu.memref_squeeze %dma_start3A_473 : memref<1x1x72x64xf32, #tpu.memory_space<vmem>> -> memref<72x64xf32, #tpu.memory_space<vmem>>
      %dma_start3A_475 = arith.constant 128 : i32
      %dma_start3A_476 = tpu.memref_slice %arg5[%dma_start3A_467, %dma_start3A_468, %dma_start3A_475] : memref<2x4x200xi32, #tpu.memory_space<vmem>> -> memref<1x1x72xi32, #tpu.memory_space<vmem>>
      %dma_start3A_477 = tpu.memref_squeeze %dma_start3A_476 : memref<1x1x72xi32, #tpu.memory_space<vmem>> -> memref<72xi32, #tpu.memory_space<vmem>>
      %dma_start3A_478 = arith.constant 0 : i32
      %dma_start3A_479 = arith.constant 0 : i32
      %dma_start3A_480 = tpu.memref_slice %arg3[%dma_start3A_478, %dma_start3A_479] : memref<1000000x64xf32, #tpu.memory_space<hbm>> -> memref<1000000x64xf32, #tpu.memory_space<hbm>>
      tpu.enqueue_indirect_dma source(%dma_start3A_480 : memref<1000000x64xf32, #tpu.memory_space<hbm>>) target(%dma_start3A_474 : memref<72x64xf32, #tpu.memory_space<vmem>>) offsets(%dma_start3A_477 : memref<72xi32, #tpu.memory_space<vmem>>) semaphore(%arg9 : memref<!tpu.dma_semaphore, #tpu.memory_space<semaphore_mem>>)
      %dma_start3A_481 = arith.constant 1 : i32
      %dma_start3A_482 = arith.constant 3 : i32
      %dma_start3A_483 = arith.constant 1 : i32
      %dma_start3A_484 = arith.constant 3 : i32
      %dma_start3A_485 = arith.constant 0 : i32
      %dma_start3A_486 = arith.constant 0 : i32
      %dma_start3A_487 = tpu.memref_slice %arg6[%dma_start3A_483, %dma_start3A_484, %dma_start3A_485, %dma_start3A_486] : memref<2x4x200x64xf32, #tpu.memory_space<vmem>> -> memref<1x1x128x64xf32, #tpu.memory_space<vmem>>
      %dma_start3A_488 = tpu.memref_squeeze %dma_start3A_487 : memref<1x1x128x64xf32, #tpu.memory_space<vmem>> -> memref<128x64xf32, #tpu.memory_space<vmem>>
      %dma_start3A_489 = arith.constant 0 : i32
      %dma_start3A_490 = tpu.memref_slice %arg5[%dma_start3A_481, %dma_start3A_482, %dma_start3A_489] : memref<2x4x200xi32, #tpu.memory_space<vmem>> -> memref<1x1x128xi32, #tpu.memory_space<vmem>>
      %dma_start3A_491 = tpu.memref_squeeze %dma_start3A_490 : memref<1x1x128xi32, #tpu.memory_space<vmem>> -> memref<128xi32, #tpu.memory_space<vmem>>
      %dma_start3A_492 = arith.constant 0 : i32
      %dma_start3A_493 = arith.constant 0 : i32
      %dma_start3A_494 = tpu.memref_slice %arg3[%dma_start3A_492, %dma_start3A_493] : memref<1000000x64xf32, #tpu.memory_space<hbm>> -> memref<1000000x64xf32, #tpu.memory_space<hbm>>
      tpu.enqueue_indirect_dma source(%dma_start3A_494 : memref<1000000x64xf32, #tpu.memory_space<hbm>>) target(%dma_start3A_488 : memref<128x64xf32, #tpu.memory_space<vmem>>) offsets(%dma_start3A_491 : memref<128xi32, #tpu.memory_space<vmem>>) semaphore(%arg9 : memref<!tpu.dma_semaphore, #tpu.memory_space<semaphore_mem>>)
      %dma_start3A_495 = arith.constant 1 : i32
      %dma_start3A_496 = arith.constant 3 : i32
      %dma_start3A_497 = arith.constant 1 : i32
      %dma_start3A_498 = arith.constant 3 : i32
      %dma_start3A_499 = arith.constant 128 : i32
      %dma_start3A_500 = arith.constant 0 : i32
      %dma_start3A_501 = tpu.memref_slice %arg6[%dma_start3A_497, %dma_start3A_498, %dma_start3A_499, %dma_start3A_500] : memref<2x4x200x64xf32, #tpu.memory_space<vmem>> -> memref<1x1x72x64xf32, #tpu.memory_space<vmem>>
      %dma_start3A_502 = tpu.memref_squeeze %dma_start3A_501 : memref<1x1x72x64xf32, #tpu.memory_space<vmem>> -> memref<72x64xf32, #tpu.memory_space<vmem>>
      %dma_start3A_503 = arith.constant 128 : i32
      %dma_start3A_504 = tpu.memref_slice %arg5[%dma_start3A_495, %dma_start3A_496, %dma_start3A_503] : memref<2x4x200xi32, #tpu.memory_space<vmem>> -> memref<1x1x72xi32, #tpu.memory_space<vmem>>
      %dma_start3A_505 = tpu.memref_squeeze %dma_start3A_504 : memref<1x1x72xi32, #tpu.memory_space<vmem>> -> memref<72xi32, #tpu.memory_space<vmem>>
      %dma_start3A_506 = arith.constant 0 : i32
      %dma_start3A_507 = arith.constant 0 : i32
      %dma_start3A_508 = tpu.memref_slice %arg3[%dma_start3A_506, %dma_start3A_507] : memref<1000000x64xf32, #tpu.memory_space<hbm>> -> memref<1000000x64xf32, #tpu.memory_space<hbm>>
      tpu.enqueue_indirect_dma source(%dma_start3A_508 : memref<1000000x64xf32, #tpu.memory_space<hbm>>) target(%dma_start3A_502 : memref<72x64xf32, #tpu.memory_space<vmem>>) offsets(%dma_start3A_505 : memref<72xi32, #tpu.memory_space<vmem>>) semaphore(%arg9 : memref<!tpu.dma_semaphore, #tpu.memory_space<semaphore_mem>>)
      %dma_wait3A_509 = arith.constant 1 : i32
      %dma_wait3A_510 = arith.constant 0 : i32
      %dma_wait3A_511 = arith.constant 1 : i32
      %dma_wait3A_512 = arith.constant 0 : i32
      %dma_wait3A_513 = arith.constant 0 : i32
      %dma_wait3A_514 = arith.constant 0 : i32
      %dma_wait3A_515 = tpu.memref_slice %arg6[%dma_wait3A_511, %dma_wait3A_512, %dma_wait3A_513, %dma_wait3A_514] : memref<2x4x200x64xf32, #tpu.memory_space<vmem>> -> memref<1x1x128x64xf32, #tpu.memory_space<vmem>>
      %dma_wait3A_516 = tpu.memref_squeeze %dma_wait3A_515 : memref<1x1x128x64xf32, #tpu.memory_space<vmem>> -> memref<128x64xf32, #tpu.memory_space<vmem>>
      %dma_wait3A_517 = arith.constant 0 : i32
      %dma_wait3A_518 = tpu.memref_slice %arg5[%dma_wait3A_509, %dma_wait3A_510, %dma_wait3A_517] : memref<2x4x200xi32, #tpu.memory_space<vmem>> -> memref<1x1x128xi32, #tpu.memory_space<vmem>>
      %dma_wait3A_519 = tpu.memref_squeeze %dma_wait3A_518 : memref<1x1x128xi32, #tpu.memory_space<vmem>> -> memref<128xi32, #tpu.memory_space<vmem>>
      %dma_wait3A_520 = arith.constant 0 : i32
      %dma_wait3A_521 = arith.constant 0 : i32
      %dma_wait3A_522 = tpu.memref_slice %arg3[%dma_wait3A_520, %dma_wait3A_521] : memref<1000000x64xf32, #tpu.memory_space<hbm>> -> memref<1000000x64xf32, #tpu.memory_space<hbm>>
      tpu.wait_indirect_dma semaphore(%arg9 : memref<!tpu.dma_semaphore, #tpu.memory_space<semaphore_mem>>) src(%dma_wait3A_522 : memref<1000000x64xf32, #tpu.memory_space<hbm>>) dst(%dma_wait3A_516 : memref<128x64xf32, #tpu.memory_space<vmem>>)
      %dma_wait3A_523 = arith.constant 1 : i32
      %dma_wait3A_524 = arith.constant 0 : i32
      %dma_wait3A_525 = arith.constant 1 : i32
      %dma_wait3A_526 = arith.constant 0 : i32
      %dma_wait3A_527 = arith.constant 128 : i32
      %dma_wait3A_528 = arith.constant 0 : i32
      %dma_wait3A_529 = tpu.memref_slice %arg6[%dma_wait3A_525, %dma_wait3A_526, %dma_wait3A_527, %dma_wait3A_528] : memref<2x4x200x64xf32, #tpu.memory_space<vmem>> -> memref<1x1x72x64xf32, #tpu.memory_space<vmem>>
      %dma_wait3A_530 = tpu.memref_squeeze %dma_wait3A_529 : memref<1x1x72x64xf32, #tpu.memory_space<vmem>> -> memref<72x64xf32, #tpu.memory_space<vmem>>
      %dma_wait3A_531 = arith.constant 128 : i32
      %dma_wait3A_532 = tpu.memref_slice %arg5[%dma_wait3A_523, %dma_wait3A_524, %dma_wait3A_531] : memref<2x4x200xi32, #tpu.memory_space<vmem>> -> memref<1x1x72xi32, #tpu.memory_space<vmem>>
      %dma_wait3A_533 = tpu.memref_squeeze %dma_wait3A_532 : memref<1x1x72xi32, #tpu.memory_space<vmem>> -> memref<72xi32, #tpu.memory_space<vmem>>
      %dma_wait3A_534 = arith.constant 0 : i32
      %dma_wait3A_535 = arith.constant 0 : i32
      %dma_wait3A_536 = tpu.memref_slice %arg3[%dma_wait3A_534, %dma_wait3A_535] : memref<1000000x64xf32, #tpu.memory_space<hbm>> -> memref<1000000x64xf32, #tpu.memory_space<hbm>>
      tpu.wait_indirect_dma semaphore(%arg9 : memref<!tpu.dma_semaphore, #tpu.memory_space<semaphore_mem>>) src(%dma_wait3A_536 : memref<1000000x64xf32, #tpu.memory_space<hbm>>) dst(%dma_wait3A_530 : memref<72x64xf32, #tpu.memory_space<vmem>>)
      %dma_wait3A_537 = arith.constant 1 : i32
      %dma_wait3A_538 = arith.constant 1 : i32
      %dma_wait3A_539 = arith.constant 1 : i32
      %dma_wait3A_540 = arith.constant 1 : i32
      %dma_wait3A_541 = arith.constant 0 : i32
      %dma_wait3A_542 = arith.constant 0 : i32
      %dma_wait3A_543 = tpu.memref_slice %arg6[%dma_wait3A_539, %dma_wait3A_540, %dma_wait3A_541, %dma_wait3A_542] : memref<2x4x200x64xf32, #tpu.memory_space<vmem>> -> memref<1x1x128x64xf32, #tpu.memory_space<vmem>>
      %dma_wait3A_544 = tpu.memref_squeeze %dma_wait3A_543 : memref<1x1x128x64xf32, #tpu.memory_space<vmem>> -> memref<128x64xf32, #tpu.memory_space<vmem>>
      %dma_wait3A_545 = arith.constant 0 : i32
      %dma_wait3A_546 = tpu.memref_slice %arg5[%dma_wait3A_537, %dma_wait3A_538, %dma_wait3A_545] : memref<2x4x200xi32, #tpu.memory_space<vmem>> -> memref<1x1x128xi32, #tpu.memory_space<vmem>>
      %dma_wait3A_547 = tpu.memref_squeeze %dma_wait3A_546 : memref<1x1x128xi32, #tpu.memory_space<vmem>> -> memref<128xi32, #tpu.memory_space<vmem>>
      %dma_wait3A_548 = arith.constant 0 : i32
      %dma_wait3A_549 = arith.constant 0 : i32
      %dma_wait3A_550 = tpu.memref_slice %arg3[%dma_wait3A_548, %dma_wait3A_549] : memref<1000000x64xf32, #tpu.memory_space<hbm>> -> memref<1000000x64xf32, #tpu.memory_space<hbm>>
      tpu.wait_indirect_dma semaphore(%arg9 : memref<!tpu.dma_semaphore, #tpu.memory_space<semaphore_mem>>) src(%dma_wait3A_550 : memref<1000000x64xf32, #tpu.memory_space<hbm>>) dst(%dma_wait3A_544 : memref<128x64xf32, #tpu.memory_space<vmem>>)
      %dma_wait3A_551 = arith.constant 1 : i32
      %dma_wait3A_552 = arith.constant 1 : i32
      %dma_wait3A_553 = arith.constant 1 : i32
      %dma_wait3A_554 = arith.constant 1 : i32
      %dma_wait3A_555 = arith.constant 128 : i32
      %dma_wait3A_556 = arith.constant 0 : i32
      %dma_wait3A_557 = tpu.memref_slice %arg6[%dma_wait3A_553, %dma_wait3A_554, %dma_wait3A_555, %dma_wait3A_556] : memref<2x4x200x64xf32, #tpu.memory_space<vmem>> -> memref<1x1x72x64xf32, #tpu.memory_space<vmem>>
      %dma_wait3A_558 = tpu.memref_squeeze %dma_wait3A_557 : memref<1x1x72x64xf32, #tpu.memory_space<vmem>> -> memref<72x64xf32, #tpu.memory_space<vmem>>
      %dma_wait3A_559 = arith.constant 128 : i32
      %dma_wait3A_560 = tpu.memref_slice %arg5[%dma_wait3A_551, %dma_wait3A_552, %dma_wait3A_559] : memref<2x4x200xi32, #tpu.memory_space<vmem>> -> memref<1x1x72xi32, #tpu.memory_space<vmem>>
      %dma_wait3A_561 = tpu.memref_squeeze %dma_wait3A_560 : memref<1x1x72xi32, #tpu.memory_space<vmem>> -> memref<72xi32, #tpu.memory_space<vmem>>
      %dma_wait3A_562 = arith.constant 0 : i32
      %dma_wait3A_563 = arith.constant 0 : i32
      %dma_wait3A_564 = tpu.memref_slice %arg3[%dma_wait3A_562, %dma_wait3A_563] : memref<1000000x64xf32, #tpu.memory_space<hbm>> -> memref<1000000x64xf32, #tpu.memory_space<hbm>>
      tpu.wait_indirect_dma semaphore(%arg9 : memref<!tpu.dma_semaphore, #tpu.memory_space<semaphore_mem>>) src(%dma_wait3A_564 : memref<1000000x64xf32, #tpu.memory_space<hbm>>) dst(%dma_wait3A_558 : memref<72x64xf32, #tpu.memory_space<vmem>>)
      %dma_wait3A_565 = arith.constant 1 : i32
      %dma_wait3A_566 = arith.constant 2 : i32
      %dma_wait3A_567 = arith.constant 1 : i32
      %dma_wait3A_568 = arith.constant 2 : i32
      %dma_wait3A_569 = arith.constant 0 : i32
      %dma_wait3A_570 = arith.constant 0 : i32
      %dma_wait3A_571 = tpu.memref_slice %arg6[%dma_wait3A_567, %dma_wait3A_568, %dma_wait3A_569, %dma_wait3A_570] : memref<2x4x200x64xf32, #tpu.memory_space<vmem>> -> memref<1x1x128x64xf32, #tpu.memory_space<vmem>>
      %dma_wait3A_572 = tpu.memref_squeeze %dma_wait3A_571 : memref<1x1x128x64xf32, #tpu.memory_space<vmem>> -> memref<128x64xf32, #tpu.memory_space<vmem>>
      %dma_wait3A_573 = arith.constant 0 : i32
      %dma_wait3A_574 = tpu.memref_slice %arg5[%dma_wait3A_565, %dma_wait3A_566, %dma_wait3A_573] : memref<2x4x200xi32, #tpu.memory_space<vmem>> -> memref<1x1x128xi32, #tpu.memory_space<vmem>>
      %dma_wait3A_575 = tpu.memref_squeeze %dma_wait3A_574 : memref<1x1x128xi32, #tpu.memory_space<vmem>> -> memref<128xi32, #tpu.memory_space<vmem>>
      %dma_wait3A_576 = arith.constant 0 : i32
      %dma_wait3A_577 = arith.constant 0 : i32
      %dma_wait3A_578 = tpu.memref_slice %arg3[%dma_wait3A_576, %dma_wait3A_577] : memref<1000000x64xf32, #tpu.memory_space<hbm>> -> memref<1000000x64xf32, #tpu.memory_space<hbm>>
      tpu.wait_indirect_dma semaphore(%arg9 : memref<!tpu.dma_semaphore, #tpu.memory_space<semaphore_mem>>) src(%dma_wait3A_578 : memref<1000000x64xf32, #tpu.memory_space<hbm>>) dst(%dma_wait3A_572 : memref<128x64xf32, #tpu.memory_space<vmem>>)
      %dma_wait3A_579 = arith.constant 1 : i32
      %dma_wait3A_580 = arith.constant 2 : i32
      %dma_wait3A_581 = arith.constant 1 : i32
      %dma_wait3A_582 = arith.constant 2 : i32
      %dma_wait3A_583 = arith.constant 128 : i32
      %dma_wait3A_584 = arith.constant 0 : i32
      %dma_wait3A_585 = tpu.memref_slice %arg6[%dma_wait3A_581, %dma_wait3A_582, %dma_wait3A_583, %dma_wait3A_584] : memref<2x4x200x64xf32, #tpu.memory_space<vmem>> -> memref<1x1x72x64xf32, #tpu.memory_space<vmem>>
      %dma_wait3A_586 = tpu.memref_squeeze %dma_wait3A_585 : memref<1x1x72x64xf32, #tpu.memory_space<vmem>> -> memref<72x64xf32, #tpu.memory_space<vmem>>
      %dma_wait3A_587 = arith.constant 128 : i32
      %dma_wait3A_588 = tpu.memref_slice %arg5[%dma_wait3A_579, %dma_wait3A_580, %dma_wait3A_587] : memref<2x4x200xi32, #tpu.memory_space<vmem>> -> memref<1x1x72xi32, #tpu.memory_space<vmem>>
      %dma_wait3A_589 = tpu.memref_squeeze %dma_wait3A_588 : memref<1x1x72xi32, #tpu.memory_space<vmem>> -> memref<72xi32, #tpu.memory_space<vmem>>
      %dma_wait3A_590 = arith.constant 0 : i32
      %dma_wait3A_591 = arith.constant 0 : i32
      %dma_wait3A_592 = tpu.memref_slice %arg3[%dma_wait3A_590, %dma_wait3A_591] : memref<1000000x64xf32, #tpu.memory_space<hbm>> -> memref<1000000x64xf32, #tpu.memory_space<hbm>>
      tpu.wait_indirect_dma semaphore(%arg9 : memref<!tpu.dma_semaphore, #tpu.memory_space<semaphore_mem>>) src(%dma_wait3A_592 : memref<1000000x64xf32, #tpu.memory_space<hbm>>) dst(%dma_wait3A_586 : memref<72x64xf32, #tpu.memory_space<vmem>>)
      %dma_wait3A_593 = arith.constant 1 : i32
      %dma_wait3A_594 = arith.constant 3 : i32
      %dma_wait3A_595 = arith.constant 1 : i32
      %dma_wait3A_596 = arith.constant 3 : i32
      %dma_wait3A_597 = arith.constant 0 : i32
      %dma_wait3A_598 = arith.constant 0 : i32
      %dma_wait3A_599 = tpu.memref_slice %arg6[%dma_wait3A_595, %dma_wait3A_596, %dma_wait3A_597, %dma_wait3A_598] : memref<2x4x200x64xf32, #tpu.memory_space<vmem>> -> memref<1x1x128x64xf32, #tpu.memory_space<vmem>>
      %dma_wait3A_600 = tpu.memref_squeeze %dma_wait3A_599 : memref<1x1x128x64xf32, #tpu.memory_space<vmem>> -> memref<128x64xf32, #tpu.memory_space<vmem>>
      %dma_wait3A_601 = arith.constant 0 : i32
      %dma_wait3A_602 = tpu.memref_slice %arg5[%dma_wait3A_593, %dma_wait3A_594, %dma_wait3A_601] : memref<2x4x200xi32, #tpu.memory_space<vmem>> -> memref<1x1x128xi32, #tpu.memory_space<vmem>>
      %dma_wait3A_603 = tpu.memref_squeeze %dma_wait3A_602 : memref<1x1x128xi32, #tpu.memory_space<vmem>> -> memref<128xi32, #tpu.memory_space<vmem>>
      %dma_wait3A_604 = arith.constant 0 : i32
      %dma_wait3A_605 = arith.constant 0 : i32
      %dma_wait3A_606 = tpu.memref_slice %arg3[%dma_wait3A_604, %dma_wait3A_605] : memref<1000000x64xf32, #tpu.memory_space<hbm>> -> memref<1000000x64xf32, #tpu.memory_space<hbm>>
      tpu.wait_indirect_dma semaphore(%arg9 : memref<!tpu.dma_semaphore, #tpu.memory_space<semaphore_mem>>) src(%dma_wait3A_606 : memref<1000000x64xf32, #tpu.memory_space<hbm>>) dst(%dma_wait3A_600 : memref<128x64xf32, #tpu.memory_space<vmem>>)
      %dma_wait3A_607 = arith.constant 1 : i32
      %dma_wait3A_608 = arith.constant 3 : i32
      %dma_wait3A_609 = arith.constant 1 : i32
      %dma_wait3A_610 = arith.constant 3 : i32
      %dma_wait3A_611 = arith.constant 128 : i32
      %dma_wait3A_612 = arith.constant 0 : i32
      %dma_wait3A_613 = tpu.memref_slice %arg6[%dma_wait3A_609, %dma_wait3A_610, %dma_wait3A_611, %dma_wait3A_612] : memref<2x4x200x64xf32, #tpu.memory_space<vmem>> -> memref<1x1x72x64xf32, #tpu.memory_space<vmem>>
      %dma_wait3A_614 = tpu.memref_squeeze %dma_wait3A_613 : memref<1x1x72x64xf32, #tpu.memory_space<vmem>> -> memref<72x64xf32, #tpu.memory_space<vmem>>
      %dma_wait3A_615 = arith.constant 128 : i32
      %dma_wait3A_616 = tpu.memref_slice %arg5[%dma_wait3A_607, %dma_wait3A_608, %dma_wait3A_615] : memref<2x4x200xi32, #tpu.memory_space<vmem>> -> memref<1x1x72xi32, #tpu.memory_space<vmem>>
      %dma_wait3A_617 = tpu.memref_squeeze %dma_wait3A_616 : memref<1x1x72xi32, #tpu.memory_space<vmem>> -> memref<72xi32, #tpu.memory_space<vmem>>
      %dma_wait3A_618 = arith.constant 0 : i32
      %dma_wait3A_619 = arith.constant 0 : i32
      %dma_wait3A_620 = tpu.memref_slice %arg3[%dma_wait3A_618, %dma_wait3A_619] : memref<1000000x64xf32, #tpu.memory_space<hbm>> -> memref<1000000x64xf32, #tpu.memory_space<hbm>>
      tpu.wait_indirect_dma semaphore(%arg9 : memref<!tpu.dma_semaphore, #tpu.memory_space<semaphore_mem>>) src(%dma_wait3A_620 : memref<1000000x64xf32, #tpu.memory_space<hbm>>) dst(%dma_wait3A_614 : memref<72x64xf32, #tpu.memory_space<vmem>>)
      %lt3A_621 = arith.constant 63 : i32
      %lt3A_622 = arith.cmpi slt, %scan3A_89, %lt3A_621 : i32
      %convert_element_type3A_623 = arith.extui %lt3A_622 : i1 to i32
      %cond3A_624 = arith.constant 0 : i32
      %cond3A_625 = arith.cmpi ne, %convert_element_type3A_623, %cond3A_624 : i32
      scf.if %cond3A_625 {
        %add3A_650 = arith.constant 2 : i32
        %add3A_651 = arith.addi %add3A_371, %add3A_650 : i32
        %mul3A_652 = arith.constant 4 : i32
        %mul3A_653 = arith.muli %add3A_651, %mul3A_652 : i32
        %add3A_654 = arith.addi %mul3A_2, %mul3A_653 : i32
        %multiple_of3A_655 = tpu.assume_multiple %add3A_654, 4 : i32
        %dma_start3A_656 = arith.constant 1 : i32
        %dma_start3A_657 = arith.constant 1 : i32
        %dma_start3A_658 = arith.constant 0 : i32
        %dma_start3A_659 = arith.constant 0 : i32
        %dma_start3A_660 = tpu.memref_slice %arg5[%dma_start3A_656, %dma_start3A_658, %dma_start3A_659] : memref<2x4x200xi32, #tpu.memory_space<vmem>> -> memref<1x4x200xi32, #tpu.memory_space<vmem>>
        %dma_start3A_661 = tpu.memref_squeeze %dma_start3A_660 : memref<1x4x200xi32, #tpu.memory_space<vmem>> -> memref<4x200xi32, #tpu.memory_space<vmem>>
        %dma_start3A_662 = arith.constant 0 : i32
        %dma_start3A_663 = tpu.memref_slice %arg2[%multiple_of3A_655, %dma_start3A_662] : memref<16384x200xi32, #tpu.memory_space<hbm>> -> memref<4x200xi32, #tpu.memory_space<hbm>>
        %dma_start3A_664 = tpu.memref_slice %arg7[%dma_start3A_657] : memref<2x!tpu.dma_semaphore, #tpu.memory_space<semaphore_mem>> -> memref<1x!tpu.dma_semaphore, #tpu.memory_space<semaphore_mem>>
        %dma_start3A_665 = tpu.memref_squeeze %dma_start3A_664 : memref<1x!tpu.dma_semaphore, #tpu.memory_space<semaphore_mem>> -> memref<!tpu.dma_semaphore, #tpu.memory_space<semaphore_mem>>
        %dma_start3A_666 = arith.constant 0 : i32
        %dma_start3A_667 = arith.constant 0 : i32
        %dma_start3A_668 = tpu.memref_slice %arg5[%dma_start3A_656, %dma_start3A_666, %dma_start3A_667] : memref<2x4x200xi32, #tpu.memory_space<vmem>> -> memref<1x4x200xi32, #tpu.memory_space<vmem>>
        %dma_start3A_669 = tpu.memref_squeeze %dma_start3A_668 : memref<1x4x200xi32, #tpu.memory_space<vmem>> -> memref<4x200xi32, #tpu.memory_space<vmem>>
        %dma_start3A_670 = arith.constant 0 : i32
        %dma_start3A_671 = tpu.memref_slice %arg2[%multiple_of3A_655, %dma_start3A_670] : memref<16384x200xi32, #tpu.memory_space<hbm>> -> memref<4x200xi32, #tpu.memory_space<hbm>>
        tpu.enqueue_dma source(%dma_start3A_671 : memref<4x200xi32, #tpu.memory_space<hbm>>) target(%dma_start3A_669 : memref<4x200xi32, #tpu.memory_space<vmem>>) target_semaphore(%dma_start3A_665 : memref<!tpu.dma_semaphore, #tpu.memory_space<semaphore_mem>>)
      } else {
      }
      %mul3A_626 = arith.constant 4 : i32
      %mul3A_627 = arith.muli %add3A_371, %mul3A_626 : i32
      %add3A_628 = arith.addi %mul3A_2, %mul3A_627 : i32
      %multiple_of3A_629 = tpu.assume_multiple %add3A_628, 4 : i32
      %dma_start3A_630 = arith.constant 1 : i32
      %dma_start3A_631 = arith.constant 1 : i32
      %dma_start3A_632 = arith.constant 0 : i32
      %dma_start3A_633 = arith.constant 0 : i32
      %dma_start3A_634 = arith.constant 0 : i32
      %dma_start3A_635 = tpu.memref_slice %arg6[%dma_start3A_630, %dma_start3A_632, %dma_start3A_633, %dma_start3A_634] : memref<2x4x200x64xf32, #tpu.memory_space<vmem>> -> memref<1x4x200x64xf32, #tpu.memory_space<vmem>>
      %dma_start3A_636 = tpu.memref_squeeze %dma_start3A_635 : memref<1x4x200x64xf32, #tpu.memory_space<vmem>> -> memref<4x200x64xf32, #tpu.memory_space<vmem>>
      %dma_start3A_637 = arith.constant 0 : i32
      %dma_start3A_638 = arith.constant 0 : i32
      %dma_start3A_639 = tpu.memref_slice %arg4[%multiple_of3A_629, %dma_start3A_637, %dma_start3A_638] : memref<16384x200x128xf32, #tpu.memory_space<hbm>> -> memref<4x200x64xf32, #tpu.memory_space<hbm>>
      %dma_start3A_640 = tpu.memref_slice %arg8[%dma_start3A_631] : memref<2x!tpu.dma_semaphore, #tpu.memory_space<semaphore_mem>> -> memref<1x!tpu.dma_semaphore, #tpu.memory_space<semaphore_mem>>
      %dma_start3A_641 = tpu.memref_squeeze %dma_start3A_640 : memref<1x!tpu.dma_semaphore, #tpu.memory_space<semaphore_mem>> -> memref<!tpu.dma_semaphore, #tpu.memory_space<semaphore_mem>>
      %dma_start3A_642 = arith.constant 0 : i32
      %dma_start3A_643 = arith.constant 0 : i32
      %dma_start3A_644 = tpu.memref_slice %arg4[%multiple_of3A_629, %dma_start3A_642, %dma_start3A_643] : memref<16384x200x128xf32, #tpu.memory_space<hbm>> -> memref<4x200x64xf32, #tpu.memory_space<hbm>>
      %dma_start3A_645 = arith.constant 0 : i32
      %dma_start3A_646 = arith.constant 0 : i32
      %dma_start3A_647 = arith.constant 0 : i32
      %dma_start3A_648 = tpu.memref_slice %arg6[%dma_start3A_630, %dma_start3A_645, %dma_start3A_646, %dma_start3A_647] : memref<2x4x200x64xf32, #tpu.memory_space<vmem>> -> memref<1x4x200x64xf32, #tpu.memory_space<vmem>>
      %dma_start3A_649 = tpu.memref_squeeze %dma_start3A_648 : memref<1x4x200x64xf32, #tpu.memory_space<vmem>> -> memref<4x200x64xf32, #tpu.memory_space<vmem>>
      tpu.enqueue_dma source(%dma_start3A_649 : memref<4x200x64xf32, #tpu.memory_space<vmem>>) target(%dma_start3A_644 : memref<4x200x64xf32, #tpu.memory_space<hbm>>) target_semaphore(%dma_start3A_641 : memref<!tpu.dma_semaphore, #tpu.memory_space<semaphore_mem>>)
    }
    %scan3A_43 = arith.constant 64 : i32
    %add3A_44 = arith.constant 504 : i32
    %add3A_45 = arith.addi %mul3A_2, %add3A_44 : i32
    %multiple_of3A_46 = tpu.assume_multiple %add3A_45, 4 : i32
    %dma_wait3A = arith.constant 0 : i32
    %dma_wait3A_47 = arith.constant 0 : i32
    %dma_wait3A_48 = arith.constant 0 : i32
    %dma_wait3A_49 = arith.constant 0 : i32
    %dma_wait3A_50 = arith.constant 0 : i32
    %dma_wait3A_51 = tpu.memref_slice %arg6[%dma_wait3A, %dma_wait3A_48, %dma_wait3A_49, %dma_wait3A_50] : memref<2x4x200x64xf32, #tpu.memory_space<vmem>> -> memref<1x4x200x64xf32, #tpu.memory_space<vmem>>
    %dma_wait3A_52 = tpu.memref_squeeze %dma_wait3A_51 : memref<1x4x200x64xf32, #tpu.memory_space<vmem>> -> memref<4x200x64xf32, #tpu.memory_space<vmem>>
    %dma_wait3A_53 = arith.constant 0 : i32
    %dma_wait3A_54 = arith.constant 0 : i32
    %dma_wait3A_55 = tpu.memref_slice %arg4[%multiple_of3A_46, %dma_wait3A_53, %dma_wait3A_54] : memref<16384x200x128xf32, #tpu.memory_space<hbm>> -> memref<4x200x64xf32, #tpu.memory_space<hbm>>
    %dma_wait3A_56 = tpu.memref_slice %arg8[%dma_wait3A_47] : memref<2x!tpu.dma_semaphore, #tpu.memory_space<semaphore_mem>> -> memref<1x!tpu.dma_semaphore, #tpu.memory_space<semaphore_mem>>
    %dma_wait3A_57 = tpu.memref_squeeze %dma_wait3A_56 : memref<1x!tpu.dma_semaphore, #tpu.memory_space<semaphore_mem>> -> memref<!tpu.dma_semaphore, #tpu.memory_space<semaphore_mem>>
    %dma_wait3A_58 = arith.constant 0 : i32
    %dma_wait3A_59 = arith.constant 0 : i32
    %dma_wait3A_60 = tpu.memref_slice %arg4[%multiple_of3A_46, %dma_wait3A_58, %dma_wait3A_59] : memref<16384x200x128xf32, #tpu.memory_space<hbm>> -> memref<4x200x64xf32, #tpu.memory_space<hbm>>
    %dma_wait3A_61 = arith.constant 0 : i32
    %dma_wait3A_62 = arith.constant 0 : i32
    %dma_wait3A_63 = arith.constant 0 : i32
    %dma_wait3A_64 = tpu.memref_slice %arg6[%dma_wait3A, %dma_wait3A_61, %dma_wait3A_62, %dma_wait3A_63] : memref<2x4x200x64xf32, #tpu.memory_space<vmem>> -> memref<1x4x200x64xf32, #tpu.memory_space<vmem>>
    %dma_wait3A_65 = tpu.memref_squeeze %dma_wait3A_64 : memref<1x4x200x64xf32, #tpu.memory_space<vmem>> -> memref<4x200x64xf32, #tpu.memory_space<vmem>>
    tpu.wait_dma2 semaphore(%dma_wait3A_57 : memref<!tpu.dma_semaphore, #tpu.memory_space<semaphore_mem>>) src(%dma_wait3A_65 : memref<4x200x64xf32, #tpu.memory_space<vmem>>) dst(%dma_wait3A_60 : memref<4x200x64xf32, #tpu.memory_space<hbm>>)
    %add3A_66 = arith.constant 508 : i32
    %add3A_67 = arith.addi %mul3A_2, %add3A_66 : i32
    %multiple_of3A_68 = tpu.assume_multiple %add3A_67, 4 : i32
    %dma_wait3A_69 = arith.constant 1 : i32
    %dma_wait3A_70 = arith.constant 1 : i32
    %dma_wait3A_71 = arith.constant 0 : i32
    %dma_wait3A_72 = arith.constant 0 : i32
    %dma_wait3A_73 = arith.constant 0 : i32
    %dma_wait3A_74 = tpu.memref_slice %arg6[%dma_wait3A_69, %dma_wait3A_71, %dma_wait3A_72, %dma_wait3A_73] : memref<2x4x200x64xf32, #tpu.memory_space<vmem>> -> memref<1x4x200x64xf32, #tpu.memory_space<vmem>>
    %dma_wait3A_75 = tpu.memref_squeeze %dma_wait3A_74 : memref<1x4x200x64xf32, #tpu.memory_space<vmem>> -> memref<4x200x64xf32, #tpu.memory_space<vmem>>
    %dma_wait3A_76 = arith.constant 0 : i32
    %dma_wait3A_77 = arith.constant 0 : i32
    %dma_wait3A_78 = tpu.memref_slice %arg4[%multiple_of3A_68, %dma_wait3A_76, %dma_wait3A_77] : memref<16384x200x128xf32, #tpu.memory_space<hbm>> -> memref<4x200x64xf32, #tpu.memory_space<hbm>>
    %dma_wait3A_79 = tpu.memref_slice %arg8[%dma_wait3A_70] : memref<2x!tpu.dma_semaphore, #tpu.memory_space<semaphore_mem>> -> memref<1x!tpu.dma_semaphore, #tpu.memory_space<semaphore_mem>>
    %dma_wait3A_80 = tpu.memref_squeeze %dma_wait3A_79 : memref<1x!tpu.dma_semaphore, #tpu.memory_space<semaphore_mem>> -> memref<!tpu.dma_semaphore, #tpu.memory_space<semaphore_mem>>
    %dma_wait3A_81 = arith.constant 0 : i32
    %dma_wait3A_82 = arith.constant 0 : i32
    %dma_wait3A_83 = tpu.memref_slice %arg4[%multiple_of3A_68, %dma_wait3A_81, %dma_wait3A_82] : memref<16384x200x128xf32, #tpu.memory_space<hbm>> -> memref<4x200x64xf32, #tpu.memory_space<hbm>>
    %dma_wait3A_84 = arith.constant 0 : i32
    %dma_wait3A_85 = arith.constant 0 : i32
    %dma_wait3A_86 = arith.constant 0 : i32
    %dma_wait3A_87 = tpu.memref_slice %arg6[%dma_wait3A_69, %dma_wait3A_84, %dma_wait3A_85, %dma_wait3A_86] : memref<2x4x200x64xf32, #tpu.memory_space<vmem>> -> memref<1x4x200x64xf32, #tpu.memory_space<vmem>>
    %dma_wait3A_88 = tpu.memref_squeeze %dma_wait3A_87 : memref<1x4x200x64xf32, #tpu.memory_space<vmem>> -> memref<4x200x64xf32, #tpu.memory_space<vmem>>
    tpu.wait_dma2 semaphore(%dma_wait3A_80 : memref<!tpu.dma_semaphore, #tpu.memory_space<semaphore_mem>>) src(%dma_wait3A_88 : memref<4x200x64xf32, #tpu.memory_space<vmem>>) dst(%dma_wait3A_83 : memref<4x200x64xf32, #tpu.memory_space<hbm>>)
    return
  }
}

</mosaic_0001>

<sc_bundles>
// kernel: kernel.3.cloned.1.call-start
scs
__scs_entry_jumppad:
0x0: {  	(pc) =	sbr.rel $0x88, $3  }
0x1: {  	(tag) =	ssettag $0x0;
	lr =	simm.s32 $0x1  }
0x2: {  	[smem:$0x3F9F] =	sst lr;
	_ =	strace $0xD0000000  }
0x3: {  	_ = 	snop  }
0x4: {  	_ = 	snop  }
0x5: {  	_ = 	snop  }
0x6: {  	_ = 	snop  }
0x7: {  	_ = 	snop  }
__scs_overlays_trampoline_lowered:
0x8: {  	[smem:$0x3FAE] =	sst s0  }
0x9: {  	[smem:$0x3FAF] =	sst s1  }
0xa: {  	[smem:$0x3FB0] =	sst s2  }
0xb: {  	[smem:$0x3FB1] =	sst s3  }
0xc: {  	[smem:$0x3FB2] =	sst s4  }
0xd: {  	[smem:$0x3FB3] =	sst s5  }
0xe: {  	[smem:$0x3FB4] =	sst s6  }
0xf: {  	[smem:$0x3FB5] =	sst s7  }
0x10: {  	[smem:$0x3FB6] =	sst s8  }
0x11: {  	[smem:$0x3FB7] =	sst s9;
	s0 =	simm.s32 @!p0 $0x0  }
0x12: {  	s1 =	sld [smem:$0x3F9D];
	s0 =	simm.s32 @p0 $0x1  }
0x13: {  	[smem:$0x3FB8] =	sst s0;
	s0 =	simm.s32 @!p1 $0x0  }
0x14: {  	s2 =	sld [smem:$0x3F9C];
	s0 =	simm.s32 @p1 $0x1  }
0x15: {  	[smem:$0x3FB9] =	sst s0;
	s0 =	simm.s32 @!p2 $0x0  }
0x16: {  	s3 =	sld [smem:$0x3FDB];
	s0 =	simm.s32 @p2 $0x1  }
0x17: {  	s4 =	simm.s32 $0x1BF5;
	[smem:$0x3FBB] =	sst s0  }
0x18: {  	s0 =	sld [smem:$0x3F9E];
	_ =	swait.ge [sflag:s4], $0x0  }
0x19: {  	s7 =	sld [smem:$0x3F9F]  }
0x1a: {  	s8 =	sadd.s32 $0xFFFFE003, lr  }
0x1b: {  	s9 =	sadd.s32 $0xFFFFFEF7, lr;
	s5 =	simm.s32 $0xFFFFFFFF;
	p2 =	slt.u32 s8, $0xFFFFF086  }
0x1c: {  	p1 =	slt.u32 s9, $0xF7A;
	s5 =	simm.s32 @!p2 $0x0  }
0x1d: {  	s5 =	simm.s32 @p1 $0x1;
	p0 =	seq.s32 s7, s2  }
0x1e: {  	s7 =	smul.u32 @!p0 $0xF7A, s2;
	p2 =	seq.s32 @!p0 s5, $0x0  }
0x1f: {  	s9 =	smul.u32 $0xF7A, s1;
	s8 =	simm.s32 @!p0 $0x1BF5;
	p2 =	por !p2, p0  }
0x20: {  	[sflag:s8] =	ssyncset.s32 @!p0 $0xFFFFF086;
	s6 =	sadd.s32 @!p0 s3, s7;
	s7 =	simm.s32 @!p0 $0x108  }
0x21: {  	s3 =	sadd.s32 s3, s9;
	s6 =	sadd.s32 @!p0 $0x88, s6;
	s7 =	simm.s32 @p2 $0x1082  }
0x22: {  	[simem:s7], [sflag:s8] =	dma.local @!p0 [hbm:s6], $0xF7A  }
0x23: {  	s9 =	sor.u32 $0xD0000000, s2;
	s6 =	simm.s32 $0x108;
	_ =	swait.ge @!p0 [sflag:s8], $0x0  }
0x24: {  	s3 =	sadd.s32 $0x88, s3;
	s6 =	simm.s32 @!p1 $0x1082;
	[sflag:s4] =	ssyncset.s32 $0xFFFFF086  }
0x25: {  	[simem:s6], [sflag:s4] =	dma.local [hbm:s3], $0xF7A  }
0x26: {  	[smem:$0x3F9F] =	sst s1;
	(tag) =	ssettag s2;
	_ =	strace s9  }
0x27: {  	s1 =	sld [smem:$0x3FAF]  }
0x28: {  	s2 =	sld [smem:$0x3FB0]  }
0x29: {  	s4 =	sld [smem:$0x3FB2]  }
0x2a: {  	p0 =	seq.s32 s5, $0x0;
	s5 =	sld [smem:$0x3FB3]  }
0x2b: {  	s6 =	sld [smem:$0x3FB4]  }
0x2c: {  	s7 =	sld [smem:$0x3FB5]  }
0x2d: {  	s3 =	simm.s32 $0x108;
	s8 =	sld [smem:$0x3FB6]  }
0x2e: {  	s3 =	simm.s32 @!p0 $0x1082;
	s9 =	sld [smem:$0x3FB7]  }
0x2f: {  	lr =	sadd.s32 s0, s3;
	s0 =	sld [smem:$0x3FAE]  }
0x30: {  	s3 =	sld [smem:$0x3FB1]  }
0x31: {  	[smem:$0x3FBA] =	sst s10  }
0x32: {  	s10 =	sld [smem:$0x3FB8];
	_ =	sdelay $0x3  }
0x33: {  	p0 =	seq.s32 s10, $0x1;
	s10 =	sld [smem:$0x3FBA];
	_ =	sdelay $0x3  }
0x34: {  	[smem:$0x3FBA] =	sst s10  }
0x35: {  	s10 =	sld [smem:$0x3FB9];
	_ =	sdelay $0x3  }
0x36: {  	p1 =	seq.s32 s10, $0x1;
	s10 =	sld [smem:$0x3FBA];
	_ =	sdelay $0x3  }
0x37: {  	[smem:$0x3FBA] =	sst s10  }
0x38: {  	s10 =	sld [smem:$0x3FBB]  }
0x39: {  	_ = 	snop;
	(pc) =	sbr.ind lr, $3  }
0x3a: {  	_ = 	snop  }
0x3b: {  	_ = 	snop  }
0x3c: {  	p2 =	seq.s32 s10, $0x1;
	s10 =	sld [smem:$0x3FBA]  }
0x3d: {  	_ =	shalt  }
0x3e: {  	_ =	shalt  }
0x3f: {  	_ =	shalt  }
0x40: {  	_ =	shalt  }
0x41: {  	_ =	shalt  }
0x42: {  	_ =	shalt  }
0x43: {  	_ =	shalt  }
0x44: {  	_ =	shalt  }
0x45: {  	_ =	shalt  }
0x46: {  	_ =	shalt  }
0x47: {  	_ =	shalt  }
0x48: {  	_ =	shalt  }
0x49: {  	_ =	shalt  }
0x4a: {  	_ =	shalt  }
0x4b: {  	_ =	shalt  }
0x4c: {  	_ =	shalt  }
0x4d: {  	_ =	shalt  }
0x4e: {  	_ =	shalt  }
0x4f: {  	_ =	shalt  }
0x50: {  	_ =	shalt  }
0x51: {  	_ =	shalt  }
0x52: {  	_ =	shalt  }
0x53: {  	_ =	shalt  }
0x54: {  	_ =	shalt  }
0x55: {  	_ =	shalt  }
0x56: {  	_ =	shalt  }
0x57: {  	_ =	shalt  }
0x58: {  	_ =	shalt  }
0x59: {  	_ =	shalt  }
0x5a: {  	_ =	shalt  }
0x5b: {  	_ =	shalt  }
0x5c: {  	_ =	shalt  }
0x5d: {  	_ =	shalt  }
0x5e: {  	_ =	shalt  }
0x5f: {  	_ =	shalt  }
0x60: {  	_ =	shalt  }
0x61: {  	_ =	shalt  }
0x62: {  	_ =	shalt  }
0x63: {  	_ =	shalt  }
0x64: {  	_ =	shalt  }
0x65: {  	_ =	shalt  }
0x66: {  	_ =	shalt  }
0x67: {  	_ =	shalt  }
0x68: {  	_ =	shalt  }
0x69: {  	_ =	shalt  }
0x6a: {  	_ =	shalt  }
0x6b: {  	_ =	shalt  }
0x6c: {  	_ =	shalt  }
0x6d: {  	_ =	shalt  }
0x6e: {  	_ =	shalt  }
0x6f: {  	_ =	shalt  }
0x70: {  	_ =	shalt  }
0x71: {  	_ =	shalt  }
0x72: {  	_ =	shalt  }
0x73: {  	_ =	shalt  }
0x74: {  	_ =	shalt  }
0x75: {  	_ =	shalt  }
0x76: {  	_ =	shalt  }
0x77: {  	_ =	shalt  }
0x78: {  	_ =	shalt  }
0x79: {  	_ =	shalt  }
0x7a: {  	_ =	shalt  }
0x7b: {  	_ =	shalt  }
0x7c: {  	_ =	shalt  }
0x7d: {  	_ =	shalt  }
0x7e: {  	_ =	shalt  }
0x7f: {  	_ =	shalt  }
0x80: {  	_ =	shalt  }
0x81: {  	_ =	shalt  }
0x82: {  	_ =	shalt  }
0x83: {  	_ =	shalt  }
0x84: {  	_ =	shalt  }
0x85: {  	_ =	shalt  }
0x86: {  	_ =	shalt  }
0x87: {  	_ =	shalt  }
.Lfunc_end0:
.L_simem_size_0:
called_computation.1_lowered:
.L_overlay_start_0:
0x88: {  	s2 =	sld [smem:$0x3FD9]  }
0x89: {  	s3 =	sld [smem:$0x3FFE];
	_ =	sdelay $0x1  }
0x8a: {  	s1 =	srdreg.scid  }
0x8b: {  	s0 =	sand.u32 $0x1, s1  }
0x8c: {  	s16 =	sshll.u32 s0, $0xA;
	s2 =	sadd.s32 s3, s2  }
0x8d: {  	s2 =	sadd.s32 s2, s16  }
0x8e: {  	[smem:$0x3FC6] =	sst s2  }
0x8f: {  	_ = 	snop  }
0x90: {  	(tm) =	ssettm $0x1  }
0x91: {  	s17 =	sld [smem:$0x3FFB];
	_ =	sdelay $0x3  }
0x92: {  	_ =	strace s17  }
0x93: {  	s2 =	sld [smem:$0x3FFC];
	_ =	sdelay $0x3  }
0x94: {  	_ =	strace s2  }
0x95: {  	s2 =	sld [smem:$0x3FFD];
	_ =	sdelay $0x3  }
0x96: {  	_ =	strace s2  }
0x97: {  	_ =	strace $0x8FFFFFFF  }
0x98: {  	s18 =	sld [smem:$0x3FDB];
	_ =	sdelay $0x1  }
0x99: {  	s19 =	simm.s32 $_scs_section_size  }
0x9a: {  	s4 =	simm.s32 $_size__tile_overlayer_lowered;
	s5 =	simm.s32 $_tile_overlayer_lowered  }
0x9b: {  	s22 =	simm.s32 $0x1BFF;
	s21 =	sshll.u32 s5, $0x1;
	s2 =	sadd.s32 s19, s18  }
0x9c: {  	s6 =	simm.s32 $0x0;
	s20 =	sshll.u32 s4, $0x1;
	s4 =	sadd.s32 s21, s2  }
0x9d: {  	[timem:s6], [sflag:s22] =	dma.local [hbm:s4], s20  }
0x9e: {  	_ =	swait.ge [sflag:s22], s20  }
0x9f: {  	s3 =	ssub.s32 $0x0, s20;
	[sflag:s22] =	ssyncset.done $0x0  }
0xa0: {  	[sflag:s22] =	ssyncadd.s32 s3;
	_ =	sdelay $0x1  }
0xa1: {  	s23 =	simm.s32 $0x1B8B  }
0xa2: {  	_ =	swait.ge [sflag:s23], $0x1  }
0xa3: {  	[sflag:s23] =	ssyncset.done $0x0  }
0xa4: {  	s25 =	simm.s32 $0x1B8E;
	s24 =	sld [smem:$0x3FFE];
	[sflag:s23] =	ssyncadd.s32 $0xFFFFFFFF  }
0xa5: {  	s26 =	simm.s32 $execute0_lowered;
	[smem:$0x3FD2] =	sst s25  }
0xa6: {  	s4 =	sshll.u32 s26, $0x1;
	_ =	strace $0x80000046;
	[dreg:$0x1] =	wrdreg $0xFFFFFFFF  }
0xa7: {  	s28 =	simm.s32 $_size_execute0_lowered;
	s2 =	sadd.s32 s2, s4;
	[dreg:$0x0] =	wrdreg $0x0  }
0xa8: {  	s4 =	sshll.u32 s28, $0x1;
	[dreg:$0x2] =	wrdreg s2  }
0xa9: {  	[dreg:$0x3] =	wrdreg s4  }
0xaa: {  	[dreg:$0x4] =	wrdreg $0xC0  }
0xab: {  	_ =	task [dreg:s6], $0x5FFFF  }
0xac: {  	[dreg:$0x1] =	wrdreg $0xFFFFFFFF  }
0xad: {  	[dreg:$0x0] =	wrdreg $0x60  }
0xae: {  	[dreg:$0x2] =	wrdreg s24  }
0xaf: {  	[dreg:$0x3] =	wrdreg $0x9  }
0xb0: {  	_ =	task.clear_ibuf [dreg:s6], $0x4FFFF;
	_ =	strace $0x90000046  }
0xb1: {  	s29 =	simm.s32 $0x9;
	_ =	strace $0x80000048  }
0xb2: {  	_ =	swait.ge [sflag:s29], $0x1  }
0xb3: {  	[sflag:s29] =	ssyncadd.s32 $0xFFFFFFFF  }
0xb4: {  	_ =	strace $0x90000048  }
0xb5: {  	_ =	sfence  }
0xb6: {  	s30 =	sld [smem:$0x0];
	_ =	sdelay $0x2  }
0xb7: {  	s31 =	sshll.u32 s1, $0xD;
	s1 =	sshrl.u32 s1, $0x2  }
0xb8: {  	s3 =	sand.u32 $0x4000, s31;
	s1 =	sadd.s32 s1, s30  }
0xb9: {  	s0 =	sor.u32 s3, s0;
	s1 =	sshll.u32 s1, $0x11  }
0xba: {  	s0 =	sor.u32 s1, s0  }
0xbb: {  	s0 =	sadd.s32 $0x8F2B, s0  }
0xbc: {  	[sflag:s0] =	ssyncadd.remote.s32 $0x1  }
0xbd: {  	_ =	sfence.sel $0xFFFF  }
0xbe: {  	[dreg:$0x0] =	wrdreg $0xFFFFFFFF;
	(pc) =	sbr.abs _section_cstart, $3  }
0xbf: {  	[dreg:$0x1] =	wrdreg $0xFFFFFFFF  }
0xc0: {  	_ =	task.clear_ibuf [dreg:s6], $0x2FFFF;
	_ =	strace $0x9FFFFFFF  }
0xc1: {  	(tm) =	ssettm $0x7FFFFFFF  }
tec
execute0_lowered:
.L_overlay_start_1:
0x0: {  	(tag) =	ssettag $0x1  }
0x1: {  	s0 =	rddreg [dreg:$0x0];
	s4 =	simm.s32 $0x0  }
0x2: {  	s12 =	simm.s32 $0x2640;
	[smem:$0x7FF] =	sst s4  }
0x3: {  	s13 =	simm.s32 $0xC8;
	_ =	strace $0x80000047;
	[dreg:$0x3] =	wrdreg s12  }
0x4: {  	s14 =	simm.s32 $0x3840;
	[dreg:$0x4] =	wrdreg s13  }
0x5: {  	s15 =	simm.s32 $0x148;
	[dreg:$0x5] =	wrdreg s14  }
0x6: {  	s2 =	stileid.u32;
	s16 =	simm.s32 $0x5840;
	[dreg:$0x6] =	wrdreg s15  }
0x7: {  	s3 =	srdreg.scid;
	s18 =	simm.s32 $0x190;
	[dreg:$0x7] =	wrdreg s16  }
0x8: {  	s19 =	simm.s32 $0x6A40;
	s20 =	simm.s32 $0x210;
	[dreg:$0x8] =	wrdreg s18  }
0x9: {  	s21 =	simm.s32 $0x8A40;
	s22 =	simm.s32 $0x258;
	[dreg:$0x9] =	wrdreg s19  }
0xa: {  	s23 =	simm.s32 $0x9C40;
	s24 =	simm.s32 $0x2D8;
	[dreg:$0xa] =	wrdreg s20  }
0xb: {  	s25 =	simm.s32 $0xBC40;
	s26 =	simm.s32 $0x3A0;
	[dreg:$0xb] =	wrdreg s21  }
0xc: {  	s28 =	simm.s32 $0xEE40;
	s29 =	simm.s32 $0x3E8;
	[dreg:$0xc] =	wrdreg s22  }
0xd: {  	s30 =	simm.s32 $0x10040;
	s31 =	simm.s32 $0x468;
	[dreg:$0xd] =	wrdreg s23  }
0xe: {  	s1 =	smul.u32 $0x320000, s2;
	s5 =	sand.u32 $0x1, s3;
	[dreg:$0xe] =	wrdreg s24  }
0xf: {  	s9 =	smul.u32 $0x6400, s2;
	s6 =	sadd.s32 $0x800, s0;
	[dreg:$0xf] =	wrdreg s25  }
0x10: {  	s3 =	sadd.s32 $0x64800, s0;
	s11 =	sshll.u32 s2, $0xA;
	[dreg:$0x10] =	wrdreg s26  }
0x11: {  	s2 =	simm.s32 $0x0;
	s7 =	smul.u32 $0x3200, s5;
	[dreg:$0x11] =	wrdreg s28  }
0x12: {  	s8 =	ssub.s32 $0x2, s5;
	s12 =	simm.s32 $0x48;
	[dreg:$0x12] =	wrdreg s29  }
0x13: {  	s13 =	simm.s32 $0x5;
	s14 =	simm.s32 $0x40;
	[dreg:$0x13] =	wrdreg s30  }
0x14: {  	s15 =	simm.s32 $0x2;
	s16 =	simm.s32 $0xCE40;
	[dreg:$0x14] =	wrdreg s31  }
0x15: {  	s18 =	simm.s32 $0x4B0;
	s19 =	simm.s32 $0x13240;
	s20 =	simm.s32 $0x530  }
0x16: {  	s21 =	simm.s32 $0x15240;
	s22 =	simm.s32 $0x578;
	s23 =	simm.s32 $0x16440  }
0x17: {  	s24 =	simm.s32 $0x5F8;
	s25 =	simm.s32 $0x18440;
	s4 =	sadd.s32 s9, s6  }
0x18: {  	s0 =	sadd.s32 s1, s0;
	s10 =	sshrl.u32 s8, $0x1;
	s9 =	sshll.u32 s5, $0x9  }
0x19: {  	s5 =	smul.u32 $0x190000, s5;
	s4 =	sadd.s32 s7, s4;
	s7 =	sor.u32 s9, s11  }
0x1a: {  	s1 =	ssub.s32 s8, s10;
	s8 =	simm.s32 $0x320;
	[dreg:$0x2] =	wrdreg s4  }
0x1b: {  	s7 =	smul.u32 $0x19, s7;
	s1 =	smax.u32 s1, $0x1;
	s0 =	sadd.s32 s5, s0  }
0x1c: {  	s9 =	simm.s32 $0x1;
	[dreg:$0x17] =	wrdreg s1;
	s0 =	sadd.s32 $0x805A00, s0  }
0x1d: {  	s10 =	simm.s32 $0x80;
	s17 =	sadd.s32 s6, s7;
	[dreg:$0x18] =	wrdreg s0  }
0x1e: {  	s11 =	simm.s32 $0x640;
	[dreg:$0x15] =	wrdreg s17;
	s4 =	sadd.s32 $0x64, s17  }
0x1f: {  	s17 =	simm.s32 $0x12040;
	[dreg:$0x16] =	wrdreg s4;
	s4 =	simm.s32 $0x0  }
.LBB2_1:
0x20: {  	s0 =	rddreg [dreg:$0x15]  }
0x21: {  	[tilespmem:s2], [sflag:$0x1] =	stream.linear.gather [hbm4b:s0+s2], $0x320, $0x38;
	[tilespmem:$0x19640] =	vst v63  }
0x22: {  	s1 =	rddreg [dreg:$0x16];
	p0 =	por $0x1, $0x1  }
0x23: {  	[tilespmem:s8], [sflag:$0x2] =	stream.linear.gather [hbm4b:s1+s2], $0x320, $0x38;
	[tilespmem:$0x19640] =	vst v63  }
0x24: {  	[dreg:$0x19] =	wrdreg s4;
	s1 =	simm.s32 @!p0 $0x3  }
0x25: {  	_ =	swait.ge @!p0 [sflag:s1], $0xC800  }
0x26: {  	[sflag:s1] =	ssyncset.done @!p0 $0x0  }
0x27: {  	[sflag:s1] =	ssyncadd.s32 @!p0 $0xFFFF3800  }
0x28: {  	_ =	swait.ge [sflag:s9], $0x320  }
0x29: {  	s4 =	rddreg [dreg:$0x6]  }
0x2a: {  	s5 =	rddreg [dreg:$0xf]  }
0x2b: {  	s6 =	rddreg [dreg:$0x9]  }
0x2c: {  	s7 =	rddreg [dreg:$0x4]  }
0x2d: {  	[sflag:s9] =	ssyncset.done $0x0;
	s30 =	rddreg [dreg:$0x3]  }
0x2e: {  	s31 =	rddreg [dreg:$0x5];
	[sflag:s9] =	ssyncadd.s32 $0xFFFFFCE0  }
0x2f: {  	[tilespmem:s11], [sflag:$0x5] =	stream.indirect.gather [hbm4b:s3+s10], $0x40, s2, s10, $0xb8;
	[tilespmem:$0x19640] =	vst v63  }
0x30: {  	s26 =	rddreg [dreg:$0x8]  }
0x31: {  	[tilespmem:s30], [sflag:$0x5] =	stream.indirect.gather [hbm4b:s3+s12], $0x40, s10, s12, $0xb8;
	[tilespmem:$0x19640] =	vst v63  }
0x32: {  	s28 =	rddreg [dreg:$0xa]  }
0x33: {  	[tilespmem:s31], [sflag:$0x5] =	stream.indirect.gather [hbm4b:s3+s10], $0x40, s7, s10, $0xb8;
	[tilespmem:$0x19640] =	vst v63  }
0x34: {  	s30 =	rddreg [dreg:$0x7]  }
0x35: {  	[tilespmem:s30], [sflag:$0x5] =	stream.indirect.gather [hbm4b:s3+s12], $0x40, s4, s12, $0xb8;
	[tilespmem:$0x19640] =	vst v63  }
0x36: {  	s29 =	rddreg [dreg:$0xd]  }
0x37: {  	[tilespmem:s6], [sflag:$0x5] =	stream.indirect.gather [hbm4b:s3+s10], $0x40, s26, s10, $0xb8;
	[tilespmem:$0x19640] =	vst v63  }
0x38: {  	s31 =	rddreg [dreg:$0xb]  }
0x39: {  	[tilespmem:s31], [sflag:$0x5] =	stream.indirect.gather [hbm4b:s3+s12], $0x40, s28, s12, $0xb8;
	[tilespmem:$0x19640] =	vst v63  }
0x3a: {  	s30 =	rddreg [dreg:$0xc]  }
0x3b: {  	[tilespmem:s29], [sflag:$0x5] =	stream.indirect.gather [hbm4b:s3+s10], $0x40, s30, s10, $0xb8;
	[tilespmem:$0x19640] =	vst v63  }
0x3c: {  	s0 =	rddreg [dreg:$0xe]  }
0x3d: {  	[tilespmem:s5], [sflag:$0x5] =	stream.indirect.gather [hbm4b:s3+s12], $0x40, s0, s12, $0xb8;
	[tilespmem:$0x19640] =	vst v63  }
0x3e: {  	_ =	swait.ge [sflag:s13], $0x2000  }
0x3f: {  	[sflag:s13] =	ssyncset.done $0x0  }
0x40: {  	[sflag:s13] =	ssyncadd.s32 $0xFFFFE000  }
0x41: {  	_ =	swait.ge [sflag:s13], $0x1200  }
0x42: {  	[sflag:s13] =	ssyncset.done $0x0  }
0x43: {  	[sflag:s13] =	ssyncadd.s32 $0xFFFFEE00  }
0x44: {  	_ =	swait.ge [sflag:s13], $0x2000  }
0x45: {  	[sflag:s13] =	ssyncset.done $0x0  }
0x46: {  	[sflag:s13] =	ssyncadd.s32 $0xFFFFE000  }
0x47: {  	_ =	swait.ge [sflag:s13], $0x1200  }
0x48: {  	[sflag:s13] =	ssyncset.done $0x0  }
0x49: {  	[sflag:s13] =	ssyncadd.s32 $0xFFFFEE00  }
0x4a: {  	_ =	swait.ge [sflag:s13], $0x2000  }
0x4b: {  	[sflag:s13] =	ssyncset.done $0x0  }
0x4c: {  	[sflag:s13] =	ssyncadd.s32 $0xFFFFE000  }
0x4d: {  	_ =	swait.ge [sflag:s13], $0x1200  }
0x4e: {  	[sflag:s13] =	ssyncset.done $0x0  }
0x4f: {  	[sflag:s13] =	ssyncadd.s32 $0xFFFFEE00  }
0x50: {  	_ =	swait.ge [sflag:s13], $0x2000  }
0x51: {  	[sflag:s13] =	ssyncset.done $0x0  }
0x52: {  	[sflag:s13] =	ssyncadd.s32 $0xFFFFE000  }
0x53: {  	_ =	swait.ge [sflag:s13], $0x1200  }
0x54: {  	p1 =	por $0x0, $0x0;
	s1 =	rddreg [dreg:$0x2]  }
0x55: {  	[sflag:s13] =	ssyncset.done $0x0;
	s1 =	sadd.s32 @!p1 $0x0, s1  }
0x56: {  	s5 =	simm.s32 @!p1 $0x0;
	[sflag:s13] =	ssyncadd.s32 $0xFFFFEE00;
	s6 =	sadd.s32 @!p1 $0xC8, s1  }
0x57: {  	[tilespmem:s5], [sflag:$0x1] =	stream.linear.gather @!p1 [hbm4b:s6+s5], $0x320, $0x38;
	[tilespmem:$0x19640] =	vst v63  }
0x58: {  	s4 =	rddreg [dreg:$0x18];
	s6 =	simm.s32 @!p0 $0x4  }
0x59: {  	[hbm4b:s4+s14] =	stream.strided.scatter [tilespmem:s11], [sflag:$0x3], $0xC800, s10, s14, $0x38;
	[tilespmem:$0x19640] =	vst v63  }
0x5a: {  	_ =	swait.ge @!p0 [sflag:s6], $0xC800  }
0x5b: {  	[sflag:s6] =	ssyncset.done @!p0 $0x0  }
0x5c: {  	[sflag:s6] =	ssyncadd.s32 @!p0 $0xFFFF3800  }
0x5d: {  	_ =	swait.ge [sflag:s15], $0x320  }
0x5e: {  	s26 =	rddreg [dreg:$0x10];
	[sflag:s15] =	ssyncset.done $0x0  }
0x5f: {  	s28 =	rddreg [dreg:$0x13];
	[sflag:s15] =	ssyncadd.s32 $0xFFFFFCE0  }
0x60: {  	[tilespmem:s16], [sflag:$0x5] =	stream.indirect.gather [hbm4b:s3+s10], $0x40, s8, s10, $0xb8;
	[tilespmem:$0x19640] =	vst v63  }
0x61: {  	s30 =	rddreg [dreg:$0x11]  }
0x62: {  	[tilespmem:s30], [sflag:$0x5] =	stream.indirect.gather [hbm4b:s3+s12], $0x40, s26, s12, $0xb8;
	[tilespmem:$0x19640] =	vst v63  }
0x63: {  	s31 =	rddreg [dreg:$0x12]  }
0x64: {  	[tilespmem:s28], [sflag:$0x5] =	stream.indirect.gather [hbm4b:s3+s10], $0x40, s31, s10, $0xb8;
	[tilespmem:$0x19640] =	vst v63  }
0x65: {  	s29 =	rddreg [dreg:$0x14]  }
0x66: {  	[tilespmem:s17], [sflag:$0x5] =	stream.indirect.gather [hbm4b:s3+s12], $0x40, s29, s12, $0xb8;
	[tilespmem:$0x19640] =	vst v63  }
0x67: {  	_ = 	snop  }
0x68: {  	[tilespmem:s19], [sflag:$0x5] =	stream.indirect.gather [hbm4b:s3+s10], $0x40, s18, s10, $0xb8;
	[tilespmem:$0x19640] =	vst v63  }
0x69: {  	_ = 	snop  }
0x6a: {  	[tilespmem:s21], [sflag:$0x5] =	stream.indirect.gather [hbm4b:s3+s12], $0x40, s20, s12, $0xb8;
	[tilespmem:$0x19640] =	vst v63  }
0x6b: {  	_ = 	snop  }
0x6c: {  	[tilespmem:s23], [sflag:$0x5] =	stream.indirect.gather [hbm4b:s3+s10], $0x40, s22, s10, $0xb8;
	[tilespmem:$0x19640] =	vst v63  }
0x6d: {  	_ = 	snop  }
0x6e: {  	[tilespmem:s25], [sflag:$0x5] =	stream.indirect.gather [hbm4b:s3+s12], $0x40, s24, s12, $0xb8;
	[tilespmem:$0x19640] =	vst v63  }
0x6f: {  	_ =	swait.ge [sflag:s13], $0x2000  }
0x70: {  	[sflag:s13] =	ssyncset.done $0x0  }
0x71: {  	[sflag:s13] =	ssyncadd.s32 $0xFFFFE000  }
0x72: {  	_ =	swait.ge [sflag:s13], $0x1200  }
0x73: {  	[sflag:s13] =	ssyncset.done $0x0  }
0x74: {  	[sflag:s13] =	ssyncadd.s32 $0xFFFFEE00  }
0x75: {  	_ =	swait.ge [sflag:s13], $0x2000  }
0x76: {  	[sflag:s13] =	ssyncset.done $0x0  }
0x77: {  	[sflag:s13] =	ssyncadd.s32 $0xFFFFE000  }
0x78: {  	_ =	swait.ge [sflag:s13], $0x1200  }
0x79: {  	[sflag:s13] =	ssyncset.done $0x0  }
0x7a: {  	[sflag:s13] =	ssyncadd.s32 $0xFFFFEE00  }
0x7b: {  	_ =	swait.ge [sflag:s13], $0x2000  }
0x7c: {  	[sflag:s13] =	ssyncset.done $0x0  }
0x7d: {  	[sflag:s13] =	ssyncadd.s32 $0xFFFFE000  }
0x7e: {  	_ =	swait.ge [sflag:s13], $0x1200  }
0x7f: {  	s7 =	smov.u32 s4;
	[sflag:s13] =	ssyncset.done $0x0  }
0x80: {  	s30 =	smov.u32 s4;
	s31 =	simm.s32 $0xC8;
	[sflag:s13] =	ssyncadd.s32 $0xFFFFEE00  }
.LBB2_2:
0x81: {  	_ =	swait.ge [sflag:s13], $0x2000  }
0x82: {  	[sflag:s13] =	ssyncset.done $0x0  }
0x83: {  	[sflag:s13] =	ssyncadd.s32 $0xFFFFE000  }
0x84: {  	_ =	swait.ge [sflag:s13], $0x1200  }
0x85: {  	s6 =	smov.u32 s31;
	s4 =	simm.s32 @!p1 $0x320;
	[sflag:s13] =	ssyncset.done $0x0  }
0x86: {  	s1 =	sadd.s32 @!p1 $0x12C, s1;
	p2 =	seq.s32 s6, $0x0;
	[sflag:s13] =	ssyncadd.s32 $0xFFFFEE00  }
0x87: {  	[tilespmem:s4], [sflag:$0x2] =	stream.linear.gather @!p1 [hbm4b:s1+s5], $0x320, $0x38;
	[tilespmem:$0x19640] =	vst v63  }
0x88: {  	s28 =	sadd.s32 $0x3200, s30;
	s1 =	simm.s32 @!p2 $0x3  }
0x89: {  	[hbm4b:s28+s14] =	stream.strided.scatter [tilespmem:s16], [sflag:$0x4], $0xC800, s10, s14, $0x38;
	[tilespmem:$0x19640] =	vst v63  }
0x8a: {  	_ =	swait.ge @!p2 [sflag:s1], $0xC800  }
0x8b: {  	[sflag:s1] =	ssyncset.done @!p2 $0x0  }
0x8c: {  	[sflag:s1] =	ssyncadd.s32 @!p2 $0xFFFF3800  }
0x8d: {  	_ =	swait.ge [sflag:s9], $0x320  }
0x8e: {  	s1 =	rddreg [dreg:$0x6]  }
0x8f: {  	s4 =	rddreg [dreg:$0xf]  }
0x90: {  	s5 =	rddreg [dreg:$0x9]  }
0x91: {  	s26 =	rddreg [dreg:$0x4]  }
0x92: {  	[sflag:s9] =	ssyncset.done $0x0;
	s28 =	rddreg [dreg:$0x3]  }
0x93: {  	s0 =	rddreg [dreg:$0x7];
	[sflag:s9] =	ssyncadd.s32 $0xFFFFFCE0  }
0x94: {  	[tilespmem:s11], [sflag:$0x5] =	stream.indirect.gather [hbm4b:s3+s10], $0x40, s2, s10, $0xb8;
	[tilespmem:$0x19640] =	vst v63  }
0x95: {  	s29 =	rddreg [dreg:$0x5]  }
0x96: {  	[tilespmem:s28], [sflag:$0x5] =	stream.indirect.gather [hbm4b:s3+s12], $0x40, s10, s12, $0xb8;
	[tilespmem:$0x19640] =	vst v63  }
0x97: {  	s8 =	rddreg [dreg:$0xb]  }
0x98: {  	[tilespmem:s29], [sflag:$0x5] =	stream.indirect.gather [hbm4b:s3+s10], $0x40, s26, s10, $0xb8;
	[tilespmem:$0x19640] =	vst v63  }
0x99: {  	s2 =	rddreg [dreg:$0x8]  }
0x9a: {  	[tilespmem:s0], [sflag:$0x5] =	stream.indirect.gather [hbm4b:s3+s12], $0x40, s1, s12, $0xb8;
	[tilespmem:$0x19640] =	vst v63  }
0x9b: {  	s28 =	rddreg [dreg:$0xa]  }
0x9c: {  	[tilespmem:s5], [sflag:$0x5] =	stream.indirect.gather [hbm4b:s3+s10], $0x40, s2, s10, $0xb8;
	[tilespmem:$0x19640] =	vst v63  }
0x9d: {  	s29 =	rddreg [dreg:$0xc]  }
0x9e: {  	[tilespmem:s8], [sflag:$0x5] =	stream.indirect.gather [hbm4b:s3+s12], $0x40, s28, s12, $0xb8;
	[tilespmem:$0x19640] =	vst v63  }
0x9f: {  	s1 =	rddreg [dreg:$0xd]  }
0xa0: {  	[tilespmem:s1], [sflag:$0x5] =	stream.indirect.gather [hbm4b:s3+s10], $0x40, s29, s10, $0xb8;
	[tilespmem:$0x19640] =	vst v63  }
0xa1: {  	s2 =	rddreg [dreg:$0xe]  }
0xa2: {  	[tilespmem:s4], [sflag:$0x5] =	stream.indirect.gather [hbm4b:s3+s12], $0x40, s2, s12, $0xb8;
	[tilespmem:$0x19640] =	vst v63  }
0xa3: {  	_ =	swait.ge [sflag:s13], $0x2000  }
0xa4: {  	[sflag:s13] =	ssyncset.done $0x0  }
0xa5: {  	[sflag:s13] =	ssyncadd.s32 $0xFFFFE000  }
0xa6: {  	_ =	swait.ge [sflag:s13], $0x1200  }
0xa7: {  	[sflag:s13] =	ssyncset.done $0x0  }
0xa8: {  	[sflag:s13] =	ssyncadd.s32 $0xFFFFEE00  }
0xa9: {  	_ =	swait.ge [sflag:s13], $0x2000  }
0xaa: {  	[sflag:s13] =	ssyncset.done $0x0  }
0xab: {  	[sflag:s13] =	ssyncadd.s32 $0xFFFFE000  }
0xac: {  	_ =	swait.ge [sflag:s13], $0x1200  }
0xad: {  	[sflag:s13] =	ssyncset.done $0x0  }
0xae: {  	[sflag:s13] =	ssyncadd.s32 $0xFFFFEE00  }
0xaf: {  	_ =	swait.ge [sflag:s13], $0x2000  }
0xb0: {  	[sflag:s13] =	ssyncset.done $0x0  }
0xb1: {  	[sflag:s13] =	ssyncadd.s32 $0xFFFFE000  }
0xb2: {  	_ =	swait.ge [sflag:s13], $0x1200  }
0xb3: {  	[sflag:s13] =	ssyncset.done $0x0  }
0xb4: {  	[sflag:s13] =	ssyncadd.s32 $0xFFFFEE00  }
0xb5: {  	_ =	swait.ge [sflag:s13], $0x2000  }
0xb6: {  	[sflag:s13] =	ssyncset.done $0x0  }
0xb7: {  	[sflag:s13] =	ssyncadd.s32 $0xFFFFE000  }
0xb8: {  	_ =	swait.ge [sflag:s13], $0x1200  }
0xb9: {  	p1 =	seq.s32 s6, $0x3138;
	s0 =	rddreg [dreg:$0x2]  }
0xba: {  	[sflag:s13] =	ssyncset.done $0x0;
	s1 =	sadd.s32 @!p1 s6, s0  }
0xbb: {  	s5 =	simm.s32 @!p1 $0x0;
	[sflag:s13] =	ssyncadd.s32 $0xFFFFEE00;
	s0 =	sadd.s32 @!p1 $0xC8, s1  }
0xbc: {  	[tilespmem:s5], [sflag:$0x1] =	stream.linear.gather @!p1 [hbm4b:s0+s5], $0x320, $0x38;
	[tilespmem:$0x19640] =	vst v63  }
0xbd: {  	s7 =	sadd.s32 $0x6400, s7;
	s0 =	simm.s32 @!p2 $0x4  }
0xbe: {  	[hbm4b:s7+s14] =	stream.strided.scatter [tilespmem:s11], [sflag:$0x3], $0xC800, s10, s14, $0x38;
	[tilespmem:$0x19640] =	vst v63  }
0xbf: {  	_ =	swait.ge @!p2 [sflag:s0], $0xC800  }
0xc0: {  	[sflag:s0] =	ssyncset.done @!p2 $0x0  }
0xc1: {  	[sflag:s0] =	ssyncadd.s32 @!p2 $0xFFFF3800  }
0xc2: {  	_ =	swait.ge [sflag:s15], $0x320  }
0xc3: {  	[sflag:s15] =	ssyncset.done $0x0;
	s4 =	rddreg [dreg:$0x10]  }
0xc4: {  	s8 =	simm.s32 $0x320;
	s6 =	rddreg [dreg:$0x13];
	[sflag:s15] =	ssyncadd.s32 $0xFFFFFCE0  }
0xc5: {  	[tilespmem:s16], [sflag:$0x5] =	stream.indirect.gather [hbm4b:s3+s10], $0x40, s8, s10, $0xb8;
	[tilespmem:$0x19640] =	vst v63  }
0xc6: {  	s26 =	rddreg [dreg:$0x11]  }
0xc7: {  	[tilespmem:s26], [sflag:$0x5] =	stream.indirect.gather [hbm4b:s3+s12], $0x40, s4, s12, $0xb8;
	[tilespmem:$0x19640] =	vst v63  }
0xc8: {  	s28 =	rddreg [dreg:$0x12]  }
0xc9: {  	[tilespmem:s6], [sflag:$0x5] =	stream.indirect.gather [hbm4b:s3+s10], $0x40, s28, s10, $0xb8;
	[tilespmem:$0x19640] =	vst v63  }
0xca: {  	s29 =	rddreg [dreg:$0x14]  }
0xcb: {  	[tilespmem:s17], [sflag:$0x5] =	stream.indirect.gather [hbm4b:s3+s12], $0x40, s29, s12, $0xb8;
	[tilespmem:$0x19640] =	vst v63  }
0xcc: {  	_ = 	snop  }
0xcd: {  	[tilespmem:s19], [sflag:$0x5] =	stream.indirect.gather [hbm4b:s3+s10], $0x40, s18, s10, $0xb8;
	[tilespmem:$0x19640] =	vst v63  }
0xce: {  	_ = 	snop  }
0xcf: {  	[tilespmem:s21], [sflag:$0x5] =	stream.indirect.gather [hbm4b:s3+s12], $0x40, s20, s12, $0xb8;
	[tilespmem:$0x19640] =	vst v63  }
0xd0: {  	_ = 	snop  }
0xd1: {  	[tilespmem:s23], [sflag:$0x5] =	stream.indirect.gather [hbm4b:s3+s10], $0x40, s22, s10, $0xb8;
	[tilespmem:$0x19640] =	vst v63  }
0xd2: {  	_ = 	snop  }
0xd3: {  	[tilespmem:s25], [sflag:$0x5] =	stream.indirect.gather [hbm4b:s3+s12], $0x40, s24, s12, $0xb8;
	[tilespmem:$0x19640] =	vst v63  }
0xd4: {  	_ =	swait.ge [sflag:s13], $0x2000  }
0xd5: {  	[sflag:s13] =	ssyncset.done $0x0  }
0xd6: {  	[sflag:s13] =	ssyncadd.s32 $0xFFFFE000  }
0xd7: {  	_ =	swait.ge [sflag:s13], $0x1200  }
0xd8: {  	[sflag:s13] =	ssyncset.done $0x0  }
0xd9: {  	[sflag:s13] =	ssyncadd.s32 $0xFFFFEE00  }
0xda: {  	_ =	swait.ge [sflag:s13], $0x2000  }
0xdb: {  	[sflag:s13] =	ssyncset.done $0x0  }
0xdc: {  	[sflag:s13] =	ssyncadd.s32 $0xFFFFE000  }
0xdd: {  	_ =	swait.ge [sflag:s13], $0x1200  }
0xde: {  	[sflag:s13] =	ssyncset.done $0x0  }
0xdf: {  	s31 =	sadd.s32 $0xC8, s31;
	[sflag:s13] =	ssyncadd.s32 $0xFFFFEE00  }
0xe0: {  	p0 =	sne.s32 s31, $0x3200;
	_ =	swait.ge [sflag:s13], $0x2000  }
.Ltmp0:
0xe1: {  	[sflag:s13] =	ssyncset.done $0x0;
	(pc) =	sbr.rel @p0 .LBB2_2-.Ltmp0, $4  }
0xe2: {  	[sflag:s13] =	ssyncadd.s32 $0xFFFFE000  }
0xe3: {  	_ =	swait.ge [sflag:s13], $0x1200  }
0xe4: {  	[sflag:s13] =	ssyncset.done $0x0  }
0xe5: {  	s30 =	smov.u32 s7;
	s2 =	simm.s32 $0x0;
	[sflag:s13] =	ssyncadd.s32 $0xFFFFEE00  }
0xe6: {  	_ =	swait.ge [sflag:s13], $0x2000  }
0xe7: {  	[sflag:s13] =	ssyncset.done $0x0  }
0xe8: {  	[sflag:s13] =	ssyncadd.s32 $0xFFFFE000  }
0xe9: {  	_ =	swait.ge [sflag:s13], $0x1200  }
0xea: {  	[sflag:s13] =	ssyncset.done $0x0  }
0xeb: {  	s0 =	simm.s32 @!p1 $0x320;
	s1 =	sadd.s32 @!p1 $0x12C, s1;
	[sflag:s13] =	ssyncadd.s32 $0xFFFFEE00  }
0xec: {  	[tilespmem:s0], [sflag:$0x2] =	stream.linear.gather @!p1 [hbm4b:s1+s5], $0x320, $0x38;
	[tilespmem:$0x19640] =	vst v63  }
0xed: {  	s28 =	sadd.s32 $0x3200, s30;
	s29 =	simm.s32 $0x3  }
0xee: {  	[hbm4b:s28+s14] =	stream.strided.scatter [tilespmem:s16], [sflag:$0x4], $0xC800, s10, s14, $0x38;
	[tilespmem:$0x19640] =	vst v63  }
0xef: {  	_ =	swait.ge [sflag:s29], $0xC800  }
0xf0: {  	[sflag:s29] =	ssyncset.done $0x0  }
0xf1: {  	s30 =	simm.s32 $0x4;
	[sflag:s29] =	ssyncadd.s32 $0xFFFF3800  }
0xf2: {  	_ =	swait.ge [sflag:s30], $0xC800  }
0xf3: {  	s4 =	rddreg [dreg:$0x19]  }
0xf4: {  	s31 =	rddreg [dreg:$0x17];
	s4 =	sadd.s32 $0x1, s4  }
0xf5: {  	p0 =	sne.s32 s4, s31  }
.Ltmp1:
0xf6: {  	_ = 	snop;
	(pc) =	sbr.rel @p0 .LBB2_1-.Ltmp1, $3  }
0xf7: {  	_ =	sdelay $0x1  }
0xf8: {  	[sflag:s30] =	ssyncset.done $0x0  }
0xf9: {  	[sflag:s30] =	ssyncadd.s32 $0xFFFF3800  }
0xfa: {  	_ =	sfence.sel $0x180000  }
0xfb: {  	[bflag:$0x0] =	sbarrier.arrive $0xFFFF  }
0xfc: {  	_ =	strace $0x90000047  }
0xfd: {  	s0 =	stileid.u32;
	[bflag:$0x2] =	sbarrier.arrive $0xFFFF  }
0xfe: {  	p0 =	sne.s32 s0, $0x0;
	s0 =	rddreg [dreg:$0x1]  }
0xff: {  	s0 =	sadd.s32 @!p0 $0x100000, s0  }
0x100: {  	[sflag:s0] =	ssyncadd.tile.s32 @!p0 $0x1;
	_ =	shalt  }
.Lfunc_end2:
_tile_overlayer_lowered:
.L_overlay_start_2:
0x101: {  	(tag) =	ssettag $0x2  }
0x102: {  	s0 =	rddreg [dreg:$0x0];
	s2 =	stileid.u32  }
0x103: {  	s1 =	rddreg [dreg:$0x1];
	p0 =	sne.s32 s2, $0x0  }
0x104: {  	s3 =	rddreg [dreg:$0x2];
	[bflag:$0x3] =	sbarrier.arrive $0xFFFF;
	s2 =	simm.s32 @!p0 $0x1C06  }
0x105: {  	[timem:s3], [sflag:s2] =	dma.local @!p0 [hbm:s0], s1  }
0x106: {  	s0 =	simm.s32 @!p0 $0x6  }
0x107: {  	_ =	swait.ge @!p0 [sflag:s0], s1  }
0x108: {  	s1 =	ssub.s32 @!p0 $0x0, s1;
	[sflag:s0] =	ssyncset.done @!p0 $0x0  }
0x109: {  	[sflag:s0] =	ssyncadd.s32 @!p0 s1  }
0x10a: {  	[bflag:$0x3] =	sbarrier.arrive $0xFFFF  }
0x10b: {  	_ =	shalt  }

// kernel: sparse-core-data-format-call.cloned.1.call-start
scs
called_computation_lowered:
.L_overlay_start_0:
0x0: {  	s2 =	sld [smem:$0x3FD9]  }
0x1: {  	s3 =	sld [smem:$0x3FFE];
	_ =	sdelay $0x1  }
0x2: {  	s1 =	srdreg.scid  }
0x3: {  	s0 =	sand.u32 $0x1, s1  }
0x4: {  	s18 =	sshll.u32 s0, $0xA;
	s2 =	sadd.s32 s3, s2  }
0x5: {  	s2 =	sadd.s32 s2, s18  }
0x6: {  	[smem:$0x3FC6] =	sst s2  }
0x7: {  	_ = 	snop  }
0x8: {  	s2 =	sld [smem:$0x3FD0];
	(tm) =	ssettm $0x1  }
0x9: {  	s19 =	sld [smem:$0x3FFB];
	_ =	sdelay $0x3  }
0xa: {  	_ =	strace s19  }
0xb: {  	s3 =	sld [smem:$0x3FFC];
	_ =	sdelay $0x3  }
0xc: {  	_ =	strace s3  }
0xd: {  	s3 =	sld [smem:$0x3FFD];
	_ =	sdelay $0x3  }
0xe: {  	_ =	strace s3  }
0xf: {  	_ =	strace $0x8FFFFFFF  }
0x10: {  	s20 =	sld [smem:$0x3FDB];
	_ =	sdelay $0x1  }
0x11: {  	s4 =	simm.s32 $_scs_section_size  }
0x12: {  	s5 =	simm.s32 $_size__tile_overlayer_lowered;
	s6 =	simm.s32 $_tile_overlayer_lowered  }
0x13: {  	s23 =	simm.s32 $0x1BFF;
	s22 =	sshll.u32 s6, $0x1;
	s3 =	sadd.s32 s4, s20  }
0x14: {  	s7 =	simm.s32 $0x0;
	s21 =	sshll.u32 s5, $0x1;
	s5 =	sadd.s32 s22, s3  }
0x15: {  	[timem:s7], [sflag:s23] =	dma.local [hbm:s5], s21  }
0x16: {  	_ =	swait.ge [sflag:s23], s21  }
0x17: {  	s4 =	ssub.s32 $0x0, s21;
	[sflag:s23] =	ssyncset.done $0x0  }
0x18: {  	[sflag:s23] =	ssyncadd.s32 s4;
	_ =	sdelay $0x1  }
0x19: {  	s24 =	simm.s32 $0x1B8B  }
0x1a: {  	_ =	swait.ge [sflag:s24], $0x1  }
0x1b: {  	[sflag:s24] =	ssyncset.done $0x0  }
0x1c: {  	s26 =	simm.s32 $0x1B8E;
	s25 =	sld [smem:$0x3FFE];
	[sflag:s24] =	ssyncadd.s32 $0xFFFFFFFF  }
0x1d: {  	s27 =	simm.s32 $execute0_lowered;
	[smem:$0x3FD2] =	sst s26  }
0x1e: {  	s5 =	sshll.u32 s27, $0x1;
	_ =	strace $0x80000049;
	[dreg:$0x1] =	wrdreg $0xFFFFFFFF  }
0x1f: {  	s28 =	simm.s32 $_size_execute0_lowered;
	s3 =	sadd.s32 s3, s5;
	[dreg:$0x0] =	wrdreg $0x0  }
0x20: {  	s5 =	sshll.u32 s28, $0x1;
	[dreg:$0x2] =	wrdreg s3  }
0x21: {  	[dreg:$0x3] =	wrdreg s5  }
0x22: {  	[dreg:$0x4] =	wrdreg $0xC0  }
0x23: {  	_ =	task [dreg:s7], $0x5FFFF  }
0x24: {  	[dreg:$0x1] =	wrdreg $0xFFFFFFFF  }
0x25: {  	[dreg:$0x0] =	wrdreg $0x60  }
0x26: {  	[dreg:$0x2] =	wrdreg s25  }
0x27: {  	[dreg:$0x3] =	wrdreg s2  }
0x28: {  	[dreg:$0x4] =	wrdreg $0x9  }
0x29: {  	_ =	task.clear_ibuf [dreg:s7], $0x5FFFF;
	_ =	strace $0x90000049  }
0x2a: {  	s29 =	simm.s32 $0x9;
	_ =	strace $0x8000004B  }
0x2b: {  	_ =	swait.ge [sflag:s29], $0x1  }
0x2c: {  	[sflag:s29] =	ssyncadd.s32 $0xFFFFFFFF  }
0x2d: {  	_ =	strace $0x9000004B  }
0x2e: {  	_ =	sfence  }
0x2f: {  	s30 =	sld [smem:$0x0];
	_ =	sdelay $0x2  }
0x30: {  	s31 =	sshll.u32 s1, $0xD;
	s1 =	sshrl.u32 s1, $0x2  }
0x31: {  	s3 =	sand.u32 $0x4000, s31;
	s1 =	sadd.s32 s1, s30  }
0x32: {  	s0 =	sor.u32 s3, s0;
	s1 =	sshll.u32 s1, $0x11  }
0x33: {  	s0 =	sor.u32 s1, s0  }
0x34: {  	s0 =	sadd.s32 $0x8F2B, s0  }
0x35: {  	[sflag:s0] =	ssyncadd.remote.s32 $0x1  }
0x36: {  	_ =	sfence.sel $0xFFFF  }
0x37: {  	[dreg:$0x0] =	wrdreg $0xFFFFFFFF;
	(pc) =	sbr.abs _section_cstart, $3  }
0x38: {  	[dreg:$0x1] =	wrdreg $0xFFFFFFFF  }
0x39: {  	_ =	task.clear_ibuf [dreg:s7], $0x2FFFF;
	_ =	strace $0x9FFFFFFF  }
0x3a: {  	(tm) =	ssettm $0x7FFFFFFF  }
0x3b: {  	_ =	shalt  }
tec
execute0_lowered:
.L_overlay_start_1:
0x0: {  	(tag) =	ssettag $0x1  }
0x1: {  	s0 =	srdreg.scid  }
0x2: {  	s1 =	sshll.u32 s0, $0x4  }
0x3: {  	s0 =	stileid.u32;
	s1 =	sand.u32 $0x10, s1  }
0x4: {  	s1 =	sor.u32 s0, s1  }
0x5: {  	s6 =	rddreg [dreg:$0x0];
	s4 =	simm.s32 $0x1;
	s2 =	sshll.u32 s1, $0x7  }
0x6: {  	s7 =	simm.s32 $0x2;
	s12 =	simm.s32 $0x0;
	s1 =	ssub.s32 $0x4000, s2  }
0x7: {  	s8 =	simm.s32 $0x20000;
	s13 =	simm.s32 $0x0;
	s3 =	sand.u32 $0xF80, s1  }
0x8: {  	s9 =	simm.s32 $0x0;
	s5 =	sshrl.u32 s1, $0xC;
	p0 =	sne.s32 s3, $0x0  }
.Ltmp0:
0x9: {  	s1 =	rddreg [dreg:$0x2];
	s4 =	simm.s32 @!p0 $0x0;
	(pc) =	sbr.rel .LBB1_1-.Ltmp0, $4  }
0xa: {  	s11 =	simm.s32 $0x0;
	s3 =	rddreg [dreg:$0x1];
	s5 =	sadd.s32 s4, s5  }
0xb: {  	_ =	strace $0x8000004A;
	s4 =	simm.s32 $0x1;
	s5 =	smul.u32 $0xC8, s5  }
0xc: {  	s6 =	sadd.s32 $0x805A00, s6;
	s10 =	smov.u32 s2;
	[sflag:s4] =	ssyncpa.u1 $0x0  }
0xd: {  	p0 =	por $0x0, $0x0;
	[sflag:s7] =	ssyncpa.u1 $0x0;
	s7 =	sor.u32 $0x1, s5  }
.LBB1_4:
0xe: {  	s16 =	sshll.u32 s13, $0x3;
	s17 =	sand.u32 $0x78, s13  }
0xf: {  	s30 =	sand.u32 $0x1F800, s13;
	s12 =	sshll.u32 s12, $0x11;
	s16 =	sand.u32 $0x3C00, s16  }
0x10: {  	[tilespmem:s15+$0x810 ss:$0x81] =	vst.msk $0xffff, v2;
	s31 =	sand.u32 $0x7, s13;
	s16 =	sor.u32 s17, s16;
	s17 =	sadd.s32 s3, s30  }
0x11: {  	[tilespmem:s15+$0x1020 ss:$0x81] =	vst.msk $0xffff, v0;
	s13 =	sshll.u32 s31, $0x12;
	s12 =	sadd.s32 s12, s17;
	s16 =	sshrl.u32 s16, $0x3  }
0x12: {  	[tilespmem:s15+$0x0 ss:$0x81] =	vst.msk $0xffff, v1;
	s13 =	sor.u32 $0x400, s13;
	s12 =	sadd.s32 s16, s12  }
0x13: {  	[hbm4b:s12+s13] =	stream.strided.scatter [tilespmem:s14], [sflag:$0x2], $0x2000, s8, s13, $0x20;
	[tilespmem:$0x8080] =	vst v63  }
.LBB1_5:
0x14: {  	s14 =	sadd.s32 $0x1, s9  }
0x15: {  	s12 =	sadd.s32 $0x1000, s10;
	s16 =	smov.u32 s10;
	p2 =	sgt.s32 s14, $0xC7  }
0x16: {  	s16 =	smov.u32 @p2 s12  }
0x17: {  	s14 =	simm.s32 @p2 $0x0;
	p2 =	sgt.s32 s16, $0x3FFF  }
0x18: {  	s16 =	smov.u32 @p2 s2;
	p2 =	sne.s32 s11, s7  }
.Ltmp1:
0x19: {  	p1 =	slt.u32 s11, $0x2;
	(pc) =	sbr.rel @!p2 .LBB1_6-.Ltmp1, $4  }
0x1a: {  	s15 =	simm.s32 @!p1 $0x2  }
0x1b: {  	s13 =	smov.u32 s10;
	p0 =	por !p0, !p0;
	_ =	swait.ge @!p1 [sflag:s15], $0x2000  }
0x1c: {  	s12 =	smov.u32 s9;
	[sflag:s15] =	ssyncset.done @!p1 $0x0;
	s9 =	smov.u32 s14  }
0x1d: {  	s11 =	sadd.s32 $0x1, s11;
	[sflag:s15] =	ssyncadd.s32 @!p1 $0xFFFFE000;
	s10 =	smov.u32 s16  }
.LBB1_1:
0x1e: {  	p1 =	sge.u32 s11, s5  }
0x1f: {  	s14 =	sand.u32 @!p1 $0x1FFFFFF, s9  }
0x20: {  	s15 =	smulhi.u32 @!p1 $0x147AE15, s14;
	_ =	sdelay $0x1  }
0x21: {  	s15 =	smul.u32 @!p1 $0xC8, s15  }
0x22: {  	s16 =	sxor.u32 @!p1 $0xFFFFFFFF, s11;
	s17 =	smul.u32 @!p1 $0xC80, s10  }
0x23: {  	s31 =	sadd.s32 $0xFFFFFFFF, s11;
	s16 =	sshll.u32 @!p1 s16, $0xD;
	s14 =	ssub.s32 @!p1 s14, s15  }
0x24: {  	s15 =	sand.u32 @!p1 $0x2000, s16;
	s16 =	sadd.s32 @!p1 s6, s17;
	s14 =	sshll.u32 @!p1 s14, $0x4  }
0x25: {  	s17 =	simm.s32 @!p1 $0x6400;
	s14 =	sadd.s32 @!p1 s14, s16;
	s16 =	simm.s32 @!p1 $0x40  }
0x26: {  	[tilespmem:s15], [sflag:$0x1] =	stream.strided.gather @!p1 [hbm4b:s14+s16], $0x2000, s17, s16, $0x38;
	[tilespmem:$0x8080] =	vst v63  }
0x27: {  	p1 =	sge.u32 s31, s5  }
.Ltmp2:
0x28: {  	_ = 	snop;
	(pc) =	sbr.rel @p1 .LBB1_5-.Ltmp2, $1  }
0x29: {  	_ =	sdelay $0x3  }
0x2a: {  	s14 =	simm.s32 $0x1  }
0x2b: {  	_ =	swait.ge [sflag:s4], $0x2000;
	s14 =	simm.s32 @!p0 $0x0  }
0x2c: {  	[sflag:s4] =	ssyncset.done $0x0;
	s15 =	sshll.u32 s14, $0xD  }
0x2d: {  	[sflag:s4] =	ssyncadd.s32 $0xFFFFE000;
	s18 =	sor.u32 $0x20, s15  }
0x2e: {  	s14 =	smul.u32 $0x8100, s14;
	v3 =	vld [tilespmem:s18+$0x10]  }
0x2f: {  	s30 =	sand.u32 $0x1, s11;
	v2 =	vld [tilespmem:s18+$0xFFFFFFF0]  }
0x30: {  	s15 =	smul.u32 $0x8100, s30;
	s14 =	sshrl.u32 s14, $0x2;
	v0 =	vld [tilespmem:s18+$0x0]  }
0x31: {  	v1 =	vld [tilespmem:s18+$0xFFFFFFE0];
	s16 =	sor.u32 $0x4000, s14  }
0x32: {  	s31 =	sshrl.u32 s15, $0x2;
	s15 =	sadd.s32 $0x0, s16  }
0x33: {  	s17 =	simm.s32 $0x4;
	s18 =	sadd.s32 $0x40, s18;
	s14 =	sor.u32 $0x4000, s31;
	[tilespmem:s15+$0x1830 ss:$0x81] =	vst.msk $0xffff, v3  }
.LBB1_3:
0x34: {  	v3 =	vld [tilespmem:s18+$0x10];
	p1 =	sne.s32 s17, $0x1FC;
	[tilespmem:s15+$0x810 ss:$0x81] =	vst.msk $0xffff, v2;
	s19 =	smov.u32 s17;
	s17 =	sadd.s32 $0x4, s17  }
.Ltmp3:
0x35: {  	v2 =	vld [tilespmem:s18+$0xFFFFFFF0];
	[tilespmem:s15+$0x1020 ss:$0x81] =	vst.msk $0xffff, v0;
	(pc) =	sbr.rel @p1 .LBB1_3-.Ltmp3, $4  }
0x36: {  	v0 =	vld [tilespmem:s18+$0x0];
	[tilespmem:s15+$0x0 ss:$0x81] =	vst.msk $0xffff, v1  }
0x37: {  	s15 =	sshra.s32 s19, $0x2;
	v1 =	vld [tilespmem:s18+$0xFFFFFFE0]  }
0x38: {  	s15 =	sadd.s32 s15, s16  }
0x39: {  	s18 =	sadd.s32 $0x40, s18;
	[tilespmem:s15+$0x1830 ss:$0x81] =	vst.msk $0xffff, v3  }
.Ltmp4:
0x3a: {  	_ = 	snop;
	(pc) =	sbr.rel .LBB1_4-.Ltmp4, $1  }
0x3b: {  	_ =	sdelay $0x3  }
.LBB1_6:
0x3c: {  	_ =	sfence.sel $0x180000  }
0x3d: {  	s2 =	simm.s32 $0x1;
	[bflag:$0x0] =	sbarrier.arrive $0xFFFF  }
0x3e: {  	s31 =	simm.s32 $0x2;
	[sflag:s2] =	ssyncpa.u1 $0x1  }
0x3f: {  	[sflag:s31] =	ssyncpa.u1 $0x1  }
0x40: {  	p0 =	sne.s32 s0, $0x0;
	_ =	strace $0x9000004A  }
0x41: {  	s0 =	sadd.s32 @!p0 $0x100000, s1;
	[bflag:$0x2] =	sbarrier.arrive $0xFFFF  }
0x42: {  	[sflag:s0] =	ssyncadd.tile.s32 @!p0 $0x1;
	_ =	shalt  }
.Lfunc_end1:
_tile_overlayer_lowered:
.L_overlay_start_2:
0x43: {  	(tag) =	ssettag $0x2  }
0x44: {  	s0 =	rddreg [dreg:$0x0];
	s2 =	stileid.u32  }
0x45: {  	s1 =	rddreg [dreg:$0x1];
	p0 =	sne.s32 s2, $0x0  }
0x46: {  	s3 =	rddreg [dreg:$0x2];
	[bflag:$0x3] =	sbarrier.arrive $0xFFFF;
	s2 =	simm.s32 @!p0 $0x1C01  }
0x47: {  	[timem:s3], [sflag:s2] =	dma.local @!p0 [hbm:s0], s1  }
0x48: {  	s0 =	simm.s32 @!p0 $0x1  }
0x49: {  	_ =	swait.ge @!p0 [sflag:s0], s1  }
0x4a: {  	s1 =	ssub.s32 @!p0 $0x0, s1;
	[sflag:s0] =	ssyncset.done @!p0 $0x0  }
0x4b: {  	[sflag:s0] =	ssyncadd.s32 @!p0 s1  }
0x4c: {  	[bflag:$0x3] =	sbarrier.arrive $0xFFFF  }
0x4d: {  	_ =	shalt  }

</sc_bundles>
